<compile_context>
chip_gen: v7x
topology: tpu7x:2x2x1
jax: 0.10.2.dev20260603
libtpu: 0.0.44.dev20260713+nightly
codegen_flags: <defaults>
</compile_context>

<pallas_src>
import functools

import jax
import jax.numpy as jnp
from jax import lax
from jax.experimental import pallas as pl
from jax.experimental.pallas import tpu as pltpu
from jax.experimental.pallas import tpu_sc as plsc

_LANES = 16
_K = 8


def _newton_rsqrt(a):
    i = plsc.bitcast(a, jnp.int32)
    y = plsc.bitcast(jnp.int32(0x5F3759DF) - (i >> 1), jnp.float32)
    for _ in range(3):
        y = y * (1.5 - (0.5 * a) * y * y)
    return y


def _make_sc_gather(B, T_pad):
    mesh = plsc.VectorSubcoreMesh(core_axis_name="c", subcore_axis_name="s")
    n_chunks = B // _LANES
    f32 = jnp.float32

    @functools.partial(
        pl.kernel,
        out_type=(
            jax.ShapeDtypeStruct((B,), f32),
            jax.ShapeDtypeStruct((B,), f32),
        ),
        mesh=mesh,
        scratch_types=[
            pltpu.VMEM((T_pad,), f32),
            pltpu.VMEM((_LANES,), jnp.int32),
            pltpu.VMEM((_LANES,), f32),
            pltpu.VMEM((_LANES,), f32),
        ],
        compiler_params=pltpu.CompilerParams(needs_layout_passes=False),
    )
    def sc_gather(t_hbm, ab_hbm, c1_hbm, c2_hbm, table_v, t_v, c1_v, c2_v):
        w = lax.axis_index("s") * 2 + lax.axis_index("c")

        @pl.when(w < n_chunks)
        def _():
            base = w * _LANES
            pltpu.sync_copy(ab_hbm, table_v)
            pltpu.sync_copy(t_hbm.at[pl.ds(base, _LANES)], t_v)
            a = plsc.load_gather(table_v, [t_v[...]])
            c1_v[...] = _newton_rsqrt(a)
            c2_v[...] = _newton_rsqrt(a / (1.0 - a))
            pltpu.sync_copy(c1_v, c1_hbm.at[pl.ds(base, _LANES)])
            pltpu.sync_copy(c2_v, c2_hbm.at[pl.ds(base, _LANES)])

    return sc_gather


def _tc_body(c1_ref, c2_ref, x_hbm, n_hbm, o_hbm, xb, nb, ob, sx, sn, so):
    nch = pl.num_programs(0)
    i = pl.program_id(0)
    slot = lax.rem(i, _K)

    @pl.when(i == 0)
    def _prologue():
        for j in range(_K):
            pltpu.make_async_copy(x_hbm.at[j], xb.at[j], sx.at[j]).start()
            pltpu.make_async_copy(n_hbm.at[j], nb.at[j], sn.at[j]).start()

    pltpu.make_async_copy(x_hbm.at[i], xb.at[slot], sx.at[slot]).wait()
    pltpu.make_async_copy(n_hbm.at[i], nb.at[slot], sn.at[slot]).wait()

    @pl.when(i >= _K)
    def _drain_out():
        pltpu.make_async_copy(ob.at[slot], o_hbm.at[i - _K], so.at[slot]).wait()

    ob.at[slot][...] = c1_ref[i] * xb.at[slot][...] - c2_ref[i] * nb.at[slot][...]
    pltpu.make_async_copy(ob.at[slot], o_hbm.at[i], so.at[slot]).start()

    @pl.when(i + _K < nch)
    def _prefetch():
        pltpu.make_async_copy(x_hbm.at[i + _K], xb.at[slot], sx.at[slot]).start()
        pltpu.make_async_copy(n_hbm.at[i + _K], nb.at[slot], sn.at[slot]).start()

    @pl.when(i == nch - 1)
    def _epilogue():
        for j in range(_K):
            pltpu.make_async_copy(
                ob.at[j], o_hbm.at[nch - _K + j], so.at[j]
            ).wait()


def kernel(x_t, t, pred_noise, alphas_bar):
    B, C, H, W = x_t.shape
    T = alphas_bar.shape[0]

    T_pad = (T + 255) // 256 * 256
    ab = jnp.concatenate([alphas_bar, jnp.ones((T_pad - T,), jnp.float32)])
    c1, c2 = _make_sc_gather(B, T_pad)(t, ab)

    out = pl.pallas_call(
        _tc_body,
        grid=(B,),
        in_specs=[
            pl.BlockSpec(memory_space=pltpu.SMEM),
            pl.BlockSpec(memory_space=pltpu.SMEM),
            pl.BlockSpec(memory_space=pltpu.MemorySpace.HBM),
            pl.BlockSpec(memory_space=pltpu.MemorySpace.HBM),
        ],
        out_specs=pl.BlockSpec(memory_space=pltpu.MemorySpace.HBM),
        out_shape=jax.ShapeDtypeStruct((B, C, H, W), jnp.float32),
        scratch_shapes=[
            pltpu.VMEM((_K, C, H, W), jnp.float32),
            pltpu.VMEM((_K, C, H, W), jnp.float32),
            pltpu.VMEM((_K, C, H, W), jnp.float32),
            pltpu.SemaphoreType.DMA((_K,)),
            pltpu.SemaphoreType.DMA((_K,)),
            pltpu.SemaphoreType.DMA((_K,)),
        ],
    )(c1, c2, x_t, pred_noise)

    return out

# --- scband reference (transcript-rebuilt; emitter-appended) ---
"""Pipeline reference for scband-diffusion-model-sampler-base-88115549045063 (READ-ONLY COPY).

The authoritative reference and input builder live on the scoring server;
editing this copy changes nothing except your own understanding.
"""

import jax, jax.numpy as jnp
import numpy as np


def setup_inputs(seed: int = 0) -> dict:
    key = jax.random.key(seed)
    k1, k2, k3 = jax.random.split(key, 3)
    B, C, H, W = 64, 3, 256, 256
    T = 1000
    x_t = jax.random.normal(k1, (B, C, H, W), dtype=jnp.float32)
    pred_noise = jax.random.normal(k2, (B, C, H, W), dtype=jnp.float32)
    t = jax.random.randint(k3, (B,), 0, T, dtype=jnp.int32)
    # realistic DDPM linear beta schedule -> alphas_bar = cumprod(1 - beta)
    betas = jnp.linspace(1e-4, 0.02, T, dtype=jnp.float32)
    alphas_bar = jnp.cumprod(1.0 - betas)
    return {"x_t": x_t, "t": t, "pred_noise": pred_noise, "alphas_bar": alphas_bar}


def reference(x_t, t, pred_noise, alphas_bar):
    # buffers computed in init(): sqrt(1/alphas_bar), sqrt(1/alphas_bar - 1)
    sqrt_recip_alphas_bar = jnp.sqrt(1.0 / alphas_bar)
    sqrt_recip_alphas_bar_minus_one = jnp.sqrt(1.0 / alphas_bar - 1.0)
    # extract(a, t, x_shape): gather along last dim, reshape to [B, 1, 1, 1]
    c1 = jnp.take(sqrt_recip_alphas_bar, t, axis=-1).reshape(-1, 1, 1, 1)
    c2 = jnp.take(sqrt_recip_alphas_bar_minus_one, t, axis=-1).reshape(-1, 1, 1, 1)
    # predict_x0_from_noise
    return c1 * x_t - c2 * pred_noise

if __name__ == "__main__":
    import jax
    _d = setup_inputs()
    print(jax.jit(kernel)(*tuple(_d.values())))

</pallas_src>

<mosaic_0001>
#map = affine_map<(d0, d1) -> (0)>
module attributes {stable_mosaic.version = 14 : i64} {
  func.func @sc_gather(%arg0: i32, %arg1: i32, %arg2: memref<64xi32, #tpu.memory_space<hbm>>, %arg3: memref<1024xf32, #tpu.memory_space<hbm>>, %arg4: memref<64xf32, #tpu.memory_space<hbm>>, %arg5: memref<64xf32, #tpu.memory_space<hbm>>, %arg6: memref<1024xf32, #tpu.memory_space<vmem>>, %arg7: memref<16xi32, #tpu.memory_space<vmem>>, %arg8: memref<16xf32, #tpu.memory_space<vmem>>, %arg9: memref<16xf32, #tpu.memory_space<vmem>>) attributes {dimension_semantics = [#tpu.dimension_semantics<core_parallel>, #tpu.dimension_semantics<subcore_parallel>], iteration_bounds = array<i64: 2, 16>, scalar_prefetch = 0 : i64, scratch_operands = 4 : i64, tpu.core_type = #tpu.core_type<sc_vector_subcore>, window_params = [{transform_indices = #map}, {transform_indices = #map}, {transform_indices = #map}, {transform_indices = #map}]} {
    %mul3A = arith.constant 2 : i32
    %mul3A_0 = arith.muli %arg1, %mul3A : i32
    %add3A = arith.addi %mul3A_0, %arg0 : i32
    %lt3A = arith.constant 4 : i32
    %lt3A_1 = arith.cmpi slt, %add3A, %lt3A : i32
    %convert_element_type3A = arith.extui %lt3A_1 : i1 to i32
    %cond3A = arith.constant 0 : i32
    %cond3A_2 = arith.cmpi ne, %convert_element_type3A, %cond3A : i32
    scf.if %cond3A_2 {
      %mul3A_3 = arith.constant 16 : i32
      %mul3A_4 = arith.muli %add3A, %mul3A_3 : i32
      "tpu.region"() ({
        %run_scoped3A = tpu.sem_alloc : memref<!tpu.dma_semaphore, #tpu.memory_space<semaphore_mem>>
        tpu.enqueue_dma source(%arg3 : memref<1024xf32, #tpu.memory_space<hbm>>) target(%arg6 : memref<1024xf32, #tpu.memory_space<vmem>>) target_semaphore(%run_scoped3A : memref<!tpu.dma_semaphore, #tpu.memory_space<semaphore_mem>>)
        tpu.wait_dma2 semaphore(%run_scoped3A : memref<!tpu.dma_semaphore, #tpu.memory_space<semaphore_mem>>) src(%arg3 : memref<1024xf32, #tpu.memory_space<hbm>>) dst(%arg6 : memref<1024xf32, #tpu.memory_space<vmem>>)
        tpu.yield
      }) : () -> ()
      "tpu.region"() ({
        %run_scoped3A = tpu.sem_alloc : memref<!tpu.dma_semaphore, #tpu.memory_space<semaphore_mem>>
        %dma_start3A = tpu.memref_slice %arg2[%mul3A_4] : memref<64xi32, #tpu.memory_space<hbm>> -> memref<16xi32, #tpu.memory_space<hbm>>
        %dma_start3A_79 = tpu.memref_slice %arg2[%mul3A_4] : memref<64xi32, #tpu.memory_space<hbm>> -> memref<16xi32, #tpu.memory_space<hbm>>
        tpu.enqueue_dma source(%dma_start3A_79 : memref<16xi32, #tpu.memory_space<hbm>>) target(%arg7 : memref<16xi32, #tpu.memory_space<vmem>>) target_semaphore(%run_scoped3A : memref<!tpu.dma_semaphore, #tpu.memory_space<semaphore_mem>>)
        %dma_wait3A = tpu.memref_slice %arg2[%mul3A_4] : memref<64xi32, #tpu.memory_space<hbm>> -> memref<16xi32, #tpu.memory_space<hbm>>
        %dma_wait3A_80 = tpu.memref_slice %arg2[%mul3A_4] : memref<64xi32, #tpu.memory_space<hbm>> -> memref<16xi32, #tpu.memory_space<hbm>>
        tpu.wait_dma2 semaphore(%run_scoped3A : memref<!tpu.dma_semaphore, #tpu.memory_space<semaphore_mem>>) src(%dma_wait3A_80 : memref<16xi32, #tpu.memory_space<hbm>>) dst(%arg7 : memref<16xi32, #tpu.memory_space<vmem>>)
        tpu.yield
      }) : () -> ()
      %get3A = arith.constant 0 : index
      %get3A_5 = tpu.vector_load %arg7[%get3A] {strides = array<i32>} : memref<16xi32, #tpu.memory_space<vmem>>, vector<16xi32>,
      %gather3A = tpu.vector_load_idx %arg6[%get3A_5] : memref<1024xf32, #tpu.memory_space<vmem>>[vector<16xi32>], vector<16xf32>,
      %bitcast3A = vector.bitcast %gather3A : vector<16xf32> to vector<16xi32>
      %shift_right_arithmetic3A = arith.constant 1 : i32
      %shift_right_arithmetic3A_6 = vector.broadcast %shift_right_arithmetic3A : i32 to vector<16xi32>
      %shift_right_arithmetic3A_7 = arith.shrsi %bitcast3A, %shift_right_arithmetic3A_6 : vector<16xi32>
      %sub3A = arith.constant 1597463007 : i32
      %sub3A_8 = vector.broadcast %sub3A : i32 to vector<16xi32>
      %sub3A_9 = arith.subi %sub3A_8, %shift_right_arithmetic3A_7 : vector<16xi32>
      %bitcast3A_10 = vector.bitcast %sub3A_9 : vector<16xi32> to vector<16xf32>
      %mul3A_11 = arith.constant 5.000000e-01 : f32
      %mul3A_12 = vector.broadcast %mul3A_11 : f32 to vector<16xf32>
      %mul3A_13 = arith.mulf %mul3A_12, %gather3A : vector<16xf32>
      %mul3A_14 = arith.mulf %mul3A_13, %bitcast3A_10 : vector<16xf32>
      %mul3A_15 = arith.mulf %mul3A_14, %bitcast3A_10 : vector<16xf32>
      %sub3A_16 = arith.constant 1.500000e+00 : f32
      %sub3A_17 = vector.broadcast %sub3A_16 : f32 to vector<16xf32>
      %sub3A_18 = arith.subf %sub3A_17, %mul3A_15 : vector<16xf32>
      %mul3A_19 = arith.mulf %bitcast3A_10, %sub3A_18 : vector<16xf32>
      %mul3A_20 = arith.constant 5.000000e-01 : f32
      %mul3A_21 = vector.broadcast %mul3A_20 : f32 to vector<16xf32>
      %mul3A_22 = arith.mulf %mul3A_21, %gather3A : vector<16xf32>
      %mul3A_23 = arith.mulf %mul3A_22, %mul3A_19 : vector<16xf32>
      %mul3A_24 = arith.mulf %mul3A_23, %mul3A_19 : vector<16xf32>
      %sub3A_25 = arith.constant 1.500000e+00 : f32
      %sub3A_26 = vector.broadcast %sub3A_25 : f32 to vector<16xf32>
      %sub3A_27 = arith.subf %sub3A_26, %mul3A_24 : vector<16xf32>
      %mul3A_28 = arith.mulf %mul3A_19, %sub3A_27 : vector<16xf32>
      %mul3A_29 = arith.constant 5.000000e-01 : f32
      %mul3A_30 = vector.broadcast %mul3A_29 : f32 to vector<16xf32>
      %mul3A_31 = arith.mulf %mul3A_30, %gather3A : vector<16xf32>
      %mul3A_32 = arith.mulf %mul3A_31, %mul3A_28 : vector<16xf32>
      %mul3A_33 = arith.mulf %mul3A_32, %mul3A_28 : vector<16xf32>
      %sub3A_34 = arith.constant 1.500000e+00 : f32
      %sub3A_35 = vector.broadcast %sub3A_34 : f32 to vector<16xf32>
      %sub3A_36 = arith.subf %sub3A_35, %mul3A_33 : vector<16xf32>
      %mul3A_37 = arith.mulf %mul3A_28, %sub3A_36 : vector<16xf32>
      %swap3A = arith.constant 0 : index
      %swap3A_38 = tpu.vector_load %arg8[%swap3A] {strides = array<i32>} : memref<16xf32, #tpu.memory_space<vmem>>, vector<16xf32>,
      tpu.vector_store %arg8[%swap3A], %mul3A_37 {strides = array<i32>} : memref<16xf32, #tpu.memory_space<vmem>>, vector<16xf32>,
      %sub3A_39 = arith.constant 1.000000e+00 : f32
      %sub3A_40 = vector.broadcast %sub3A_39 : f32 to vector<16xf32>
      %sub3A_41 = arith.subf %sub3A_40, %gather3A : vector<16xf32>
      %div3A = arith.divf %gather3A, %sub3A_41 : vector<16xf32>
      %bitcast3A_42 = vector.bitcast %div3A : vector<16xf32> to vector<16xi32>
      %shift_right_arithmetic3A_43 = arith.constant 1 : i32
      %shift_right_arithmetic3A_44 = vector.broadcast %shift_right_arithmetic3A_43 : i32 to vector<16xi32>
      %shift_right_arithmetic3A_45 = arith.shrsi %bitcast3A_42, %shift_right_arithmetic3A_44 : vector<16xi32>
      %sub3A_46 = arith.constant 1597463007 : i32
      %sub3A_47 = vector.broadcast %sub3A_46 : i32 to vector<16xi32>
      %sub3A_48 = arith.subi %sub3A_47, %shift_right_arithmetic3A_45 : vector<16xi32>
      %bitcast3A_49 = vector.bitcast %sub3A_48 : vector<16xi32> to vector<16xf32>
      %mul3A_50 = arith.constant 5.000000e-01 : f32
      %mul3A_51 = vector.broadcast %mul3A_50 : f32 to vector<16xf32>
      %mul3A_52 = arith.mulf %mul3A_51, %div3A : vector<16xf32>
      %mul3A_53 = arith.mulf %mul3A_52, %bitcast3A_49 : vector<16xf32>
      %mul3A_54 = arith.mulf %mul3A_53, %bitcast3A_49 : vector<16xf32>
      %sub3A_55 = arith.constant 1.500000e+00 : f32
      %sub3A_56 = vector.broadcast %sub3A_55 : f32 to vector<16xf32>
      %sub3A_57 = arith.subf %sub3A_56, %mul3A_54 : vector<16xf32>
      %mul3A_58 = arith.mulf %bitcast3A_49, %sub3A_57 : vector<16xf32>
      %mul3A_59 = arith.constant 5.000000e-01 : f32
      %mul3A_60 = vector.broadcast %mul3A_59 : f32 to vector<16xf32>
      %mul3A_61 = arith.mulf %mul3A_60, %div3A : vector<16xf32>
      %mul3A_62 = arith.mulf %mul3A_61, %mul3A_58 : vector<16xf32>
      %mul3A_63 = arith.mulf %mul3A_62, %mul3A_58 : vector<16xf32>
      %sub3A_64 = arith.constant 1.500000e+00 : f32
      %sub3A_65 = vector.broadcast %sub3A_64 : f32 to vector<16xf32>
      %sub3A_66 = arith.subf %sub3A_65, %mul3A_63 : vector<16xf32>
      %mul3A_67 = arith.mulf %mul3A_58, %sub3A_66 : vector<16xf32>
      %mul3A_68 = arith.constant 5.000000e-01 : f32
      %mul3A_69 = vector.broadcast %mul3A_68 : f32 to vector<16xf32>
      %mul3A_70 = arith.mulf %mul3A_69, %div3A : vector<16xf32>
      %mul3A_71 = arith.mulf %mul3A_70, %mul3A_67 : vector<16xf32>
      %mul3A_72 = arith.mulf %mul3A_71, %mul3A_67 : vector<16xf32>
      %sub3A_73 = arith.constant 1.500000e+00 : f32
      %sub3A_74 = vector.broadcast %sub3A_73 : f32 to vector<16xf32>
      %sub3A_75 = arith.subf %sub3A_74, %mul3A_72 : vector<16xf32>
      %mul3A_76 = arith.mulf %mul3A_67, %sub3A_75 : vector<16xf32>
      %swap3A_77 = arith.constant 0 : index
      %swap3A_78 = tpu.vector_load %arg9[%swap3A_77] {strides = array<i32>} : memref<16xf32, #tpu.memory_space<vmem>>, vector<16xf32>,
      tpu.vector_store %arg9[%swap3A_77], %mul3A_76 {strides = array<i32>} : memref<16xf32, #tpu.memory_space<vmem>>, vector<16xf32>,
      "tpu.region"() ({
        %run_scoped3A = tpu.sem_alloc : memref<!tpu.dma_semaphore, #tpu.memory_space<semaphore_mem>>
        %dma_start3A = tpu.memref_slice %arg4[%mul3A_4] : memref<64xf32, #tpu.memory_space<hbm>> -> memref<16xf32, #tpu.memory_space<hbm>>
        %dma_start3A_79 = tpu.memref_slice %arg4[%mul3A_4] : memref<64xf32, #tpu.memory_space<hbm>> -> memref<16xf32, #tpu.memory_space<hbm>>
        tpu.enqueue_dma source(%arg8 : memref<16xf32, #tpu.memory_space<vmem>>) target(%dma_start3A_79 : memref<16xf32, #tpu.memory_space<hbm>>) target_semaphore(%run_scoped3A : memref<!tpu.dma_semaphore, #tpu.memory_space<semaphore_mem>>)
        %dma_wait3A = tpu.memref_slice %arg4[%mul3A_4] : memref<64xf32, #tpu.memory_space<hbm>> -> memref<16xf32, #tpu.memory_space<hbm>>
        %dma_wait3A_80 = tpu.memref_slice %arg4[%mul3A_4] : memref<64xf32, #tpu.memory_space<hbm>> -> memref<16xf32, #tpu.memory_space<hbm>>
        tpu.wait_dma2 semaphore(%run_scoped3A : memref<!tpu.dma_semaphore, #tpu.memory_space<semaphore_mem>>) src(%arg8 : memref<16xf32, #tpu.memory_space<vmem>>) dst(%dma_wait3A_80 : memref<16xf32, #tpu.memory_space<hbm>>)
        tpu.yield
      }) : () -> ()
      "tpu.region"() ({
        %run_scoped3A = tpu.sem_alloc : memref<!tpu.dma_semaphore, #tpu.memory_space<semaphore_mem>>
        %dma_start3A = tpu.memref_slice %arg5[%mul3A_4] : memref<64xf32, #tpu.memory_space<hbm>> -> memref<16xf32, #tpu.memory_space<hbm>>
        %dma_start3A_79 = tpu.memref_slice %arg5[%mul3A_4] : memref<64xf32, #tpu.memory_space<hbm>> -> memref<16xf32, #tpu.memory_space<hbm>>
        tpu.enqueue_dma source(%arg9 : memref<16xf32, #tpu.memory_space<vmem>>) target(%dma_start3A_79 : memref<16xf32, #tpu.memory_space<hbm>>) target_semaphore(%run_scoped3A : memref<!tpu.dma_semaphore, #tpu.memory_space<semaphore_mem>>)
        %dma_wait3A = tpu.memref_slice %arg5[%mul3A_4] : memref<64xf32, #tpu.memory_space<hbm>> -> memref<16xf32, #tpu.memory_space<hbm>>
        %dma_wait3A_80 = tpu.memref_slice %arg5[%mul3A_4] : memref<64xf32, #tpu.memory_space<hbm>> -> memref<16xf32, #tpu.memory_space<hbm>>
        tpu.wait_dma2 semaphore(%run_scoped3A : memref<!tpu.dma_semaphore, #tpu.memory_space<semaphore_mem>>) src(%arg9 : memref<16xf32, #tpu.memory_space<vmem>>) dst(%dma_wait3A_80 : memref<16xf32, #tpu.memory_space<hbm>>)
        tpu.yield
      }) : () -> ()
    } else {
    }
    return
  }
}

module attributes {stable_mosaic.version = 14 : i64} {
  func.func @_tc_body(%arg0: i32, %arg1: memref<64xf32, #tpu.memory_space<smem>>, %arg2: memref<64xf32, #tpu.memory_space<smem>>, %arg3: memref<64x3x256x256xf32, #tpu.memory_space<hbm>>, %arg4: memref<64x3x256x256xf32, #tpu.memory_space<hbm>>, %arg5: memref<64x3x256x256xf32, #tpu.memory_space<hbm>>, %arg6: memref<8x3x256x256xf32, #tpu.memory_space<vmem>>, %arg7: memref<8x3x256x256xf32, #tpu.memory_space<vmem>>, %arg8: memref<8x3x256x256xf32, #tpu.memory_space<vmem>>, %arg9: memref<8x!tpu.dma_semaphore, #tpu.memory_space<semaphore_mem>>, %arg10: memref<8x!tpu.dma_semaphore, #tpu.memory_space<semaphore_mem>>, %arg11: memref<8x!tpu.dma_semaphore, #tpu.memory_space<semaphore_mem>>) attributes {dimension_semantics = [#tpu.dimension_semantics<arbitrary>], iteration_bounds = array<i64: 64>, scalar_prefetch = 0 : i64, scratch_operands = 6 : i64, tpu.core_type = #tpu.core_type<tc>, window_params = [{transform_indices = @transform_0, window_bounds = array<i64: 64>}, {transform_indices = @transform_1, window_bounds = array<i64: 64>}, {}, {}, {}]} {
    %rem3A = arith.constant 8 : i32
    %rem3A_0 = arith.remsi %arg0, %rem3A : i32
    %eq3A = arith.constant 0 : i32
    %eq3A_1 = arith.cmpi eq, %arg0, %eq3A : i32
    %convert_element_type3A = arith.extui %eq3A_1 : i1 to i32
    %cond3A = arith.constant 0 : i32
    %cond3A_2 = arith.cmpi ne, %convert_element_type3A, %cond3A : i32
    scf.if %cond3A_2 {
      %dma_start3A_75 = arith.constant 0 : i32
      %dma_start3A_76 = arith.constant 0 : i32
      %dma_start3A_77 = arith.constant 0 : i32
      %dma_start3A_78 = tpu.memref_slice %arg9[%dma_start3A_77] : memref<8x!tpu.dma_semaphore, #tpu.memory_space<semaphore_mem>> -> memref<1x!tpu.dma_semaphore, #tpu.memory_space<semaphore_mem>>
      %dma_start3A_79 = tpu.memref_squeeze %dma_start3A_78 : memref<1x!tpu.dma_semaphore, #tpu.memory_space<semaphore_mem>> -> memref<!tpu.dma_semaphore, #tpu.memory_space<semaphore_mem>>
      %dma_start3A_80 = arith.constant 0 : i32
      %dma_start3A_81 = arith.constant 0 : i32
      %dma_start3A_82 = arith.constant 0 : i32
      %dma_start3A_83 = tpu.memref_slice %arg6[%dma_start3A_76, %dma_start3A_80, %dma_start3A_81, %dma_start3A_82] : memref<8x3x256x256xf32, #tpu.memory_space<vmem>> -> memref<1x3x256x256xf32, #tpu.memory_space<vmem>>
      %dma_start3A_84 = tpu.memref_squeeze %dma_start3A_83 : memref<1x3x256x256xf32, #tpu.memory_space<vmem>> -> memref<3x256x256xf32, #tpu.memory_space<vmem>>
      %dma_start3A_85 = arith.constant 0 : i32
      %dma_start3A_86 = arith.constant 0 : i32
      %dma_start3A_87 = arith.constant 0 : i32
      %dma_start3A_88 = tpu.memref_slice %arg3[%dma_start3A_75, %dma_start3A_85, %dma_start3A_86, %dma_start3A_87] : memref<64x3x256x256xf32, #tpu.memory_space<hbm>> -> memref<1x3x256x256xf32, #tpu.memory_space<hbm>>
      %dma_start3A_89 = tpu.memref_squeeze %dma_start3A_88 : memref<1x3x256x256xf32, #tpu.memory_space<hbm>> -> memref<3x256x256xf32, #tpu.memory_space<hbm>>
      tpu.enqueue_dma source(%dma_start3A_89 : memref<3x256x256xf32, #tpu.memory_space<hbm>>) target(%dma_start3A_84 : memref<3x256x256xf32, #tpu.memory_space<vmem>>) target_semaphore(%dma_start3A_79 : memref<!tpu.dma_semaphore, #tpu.memory_space<semaphore_mem>>)
      %dma_start3A_90 = arith.constant 0 : i32
      %dma_start3A_91 = arith.constant 0 : i32
      %dma_start3A_92 = arith.constant 0 : i32
      %dma_start3A_93 = tpu.memref_slice %arg10[%dma_start3A_92] : memref<8x!tpu.dma_semaphore, #tpu.memory_space<semaphore_mem>> -> memref<1x!tpu.dma_semaphore, #tpu.memory_space<semaphore_mem>>
      %dma_start3A_94 = tpu.memref_squeeze %dma_start3A_93 : memref<1x!tpu.dma_semaphore, #tpu.memory_space<semaphore_mem>> -> memref<!tpu.dma_semaphore, #tpu.memory_space<semaphore_mem>>
      %dma_start3A_95 = arith.constant 0 : i32
      %dma_start3A_96 = arith.constant 0 : i32
      %dma_start3A_97 = arith.constant 0 : i32
      %dma_start3A_98 = tpu.memref_slice %arg7[%dma_start3A_91, %dma_start3A_95, %dma_start3A_96, %dma_start3A_97] : memref<8x3x256x256xf32, #tpu.memory_space<vmem>> -> memref<1x3x256x256xf32, #tpu.memory_space<vmem>>
      %dma_start3A_99 = tpu.memref_squeeze %dma_start3A_98 : memref<1x3x256x256xf32, #tpu.memory_space<vmem>> -> memref<3x256x256xf32, #tpu.memory_space<vmem>>
      %dma_start3A_100 = arith.constant 0 : i32
      %dma_start3A_101 = arith.constant 0 : i32
      %dma_start3A_102 = arith.constant 0 : i32
      %dma_start3A_103 = tpu.memref_slice %arg4[%dma_start3A_90, %dma_start3A_100, %dma_start3A_101, %dma_start3A_102] : memref<64x3x256x256xf32, #tpu.memory_space<hbm>> -> memref<1x3x256x256xf32, #tpu.memory_space<hbm>>
      %dma_start3A_104 = tpu.memref_squeeze %dma_start3A_103 : memref<1x3x256x256xf32, #tpu.memory_space<hbm>> -> memref<3x256x256xf32, #tpu.memory_space<hbm>>
      tpu.enqueue_dma source(%dma_start3A_104 : memref<3x256x256xf32, #tpu.memory_space<hbm>>) target(%dma_start3A_99 : memref<3x256x256xf32, #tpu.memory_space<vmem>>) target_semaphore(%dma_start3A_94 : memref<!tpu.dma_semaphore, #tpu.memory_space<semaphore_mem>>)
      %dma_start3A_105 = arith.constant 1 : i32
      %dma_start3A_106 = arith.constant 1 : i32
      %dma_start3A_107 = arith.constant 1 : i32
      %dma_start3A_108 = tpu.memref_slice %arg9[%dma_start3A_107] : memref<8x!tpu.dma_semaphore, #tpu.memory_space<semaphore_mem>> -> memref<1x!tpu.dma_semaphore, #tpu.memory_space<semaphore_mem>>
      %dma_start3A_109 = tpu.memref_squeeze %dma_start3A_108 : memref<1x!tpu.dma_semaphore, #tpu.memory_space<semaphore_mem>> -> memref<!tpu.dma_semaphore, #tpu.memory_space<semaphore_mem>>
      %dma_start3A_110 = arith.constant 0 : i32
      %dma_start3A_111 = arith.constant 0 : i32
      %dma_start3A_112 = arith.constant 0 : i32
      %dma_start3A_113 = tpu.memref_slice %arg6[%dma_start3A_106, %dma_start3A_110, %dma_start3A_111, %dma_start3A_112] : memref<8x3x256x256xf32, #tpu.memory_space<vmem>> -> memref<1x3x256x256xf32, #tpu.memory_space<vmem>>
      %dma_start3A_114 = tpu.memref_squeeze %dma_start3A_113 : memref<1x3x256x256xf32, #tpu.memory_space<vmem>> -> memref<3x256x256xf32, #tpu.memory_space<vmem>>
      %dma_start3A_115 = arith.constant 0 : i32
      %dma_start3A_116 = arith.constant 0 : i32
      %dma_start3A_117 = arith.constant 0 : i32
      %dma_start3A_118 = tpu.memref_slice %arg3[%dma_start3A_105, %dma_start3A_115, %dma_start3A_116, %dma_start3A_117] : memref<64x3x256x256xf32, #tpu.memory_space<hbm>> -> memref<1x3x256x256xf32, #tpu.memory_space<hbm>>
      %dma_start3A_119 = tpu.memref_squeeze %dma_start3A_118 : memref<1x3x256x256xf32, #tpu.memory_space<hbm>> -> memref<3x256x256xf32, #tpu.memory_space<hbm>>
      tpu.enqueue_dma source(%dma_start3A_119 : memref<3x256x256xf32, #tpu.memory_space<hbm>>) target(%dma_start3A_114 : memref<3x256x256xf32, #tpu.memory_space<vmem>>) target_semaphore(%dma_start3A_109 : memref<!tpu.dma_semaphore, #tpu.memory_space<semaphore_mem>>)
      %dma_start3A_120 = arith.constant 1 : i32
      %dma_start3A_121 = arith.constant 1 : i32
      %dma_start3A_122 = arith.constant 1 : i32
      %dma_start3A_123 = tpu.memref_slice %arg10[%dma_start3A_122] : memref<8x!tpu.dma_semaphore, #tpu.memory_space<semaphore_mem>> -> memref<1x!tpu.dma_semaphore, #tpu.memory_space<semaphore_mem>>
      %dma_start3A_124 = tpu.memref_squeeze %dma_start3A_123 : memref<1x!tpu.dma_semaphore, #tpu.memory_space<semaphore_mem>> -> memref<!tpu.dma_semaphore, #tpu.memory_space<semaphore_mem>>
      %dma_start3A_125 = arith.constant 0 : i32
      %dma_start3A_126 = arith.constant 0 : i32
      %dma_start3A_127 = arith.constant 0 : i32
      %dma_start3A_128 = tpu.memref_slice %arg7[%dma_start3A_121, %dma_start3A_125, %dma_start3A_126, %dma_start3A_127] : memref<8x3x256x256xf32, #tpu.memory_space<vmem>> -> memref<1x3x256x256xf32, #tpu.memory_space<vmem>>
      %dma_start3A_129 = tpu.memref_squeeze %dma_start3A_128 : memref<1x3x256x256xf32, #tpu.memory_space<vmem>> -> memref<3x256x256xf32, #tpu.memory_space<vmem>>
      %dma_start3A_130 = arith.constant 0 : i32
      %dma_start3A_131 = arith.constant 0 : i32
      %dma_start3A_132 = arith.constant 0 : i32
      %dma_start3A_133 = tpu.memref_slice %arg4[%dma_start3A_120, %dma_start3A_130, %dma_start3A_131, %dma_start3A_132] : memref<64x3x256x256xf32, #tpu.memory_space<hbm>> -> memref<1x3x256x256xf32, #tpu.memory_space<hbm>>
      %dma_start3A_134 = tpu.memref_squeeze %dma_start3A_133 : memref<1x3x256x256xf32, #tpu.memory_space<hbm>> -> memref<3x256x256xf32, #tpu.memory_space<hbm>>
      tpu.enqueue_dma source(%dma_start3A_134 : memref<3x256x256xf32, #tpu.memory_space<hbm>>) target(%dma_start3A_129 : memref<3x256x256xf32, #tpu.memory_space<vmem>>) target_semaphore(%dma_start3A_124 : memref<!tpu.dma_semaphore, #tpu.memory_space<semaphore_mem>>)
      %dma_start3A_135 = arith.constant 2 : i32
      %dma_start3A_136 = arith.constant 2 : i32
      %dma_start3A_137 = arith.constant 2 : i32
      %dma_start3A_138 = tpu.memref_slice %arg9[%dma_start3A_137] : memref<8x!tpu.dma_semaphore, #tpu.memory_space<semaphore_mem>> -> memref<1x!tpu.dma_semaphore, #tpu.memory_space<semaphore_mem>>
      %dma_start3A_139 = tpu.memref_squeeze %dma_start3A_138 : memref<1x!tpu.dma_semaphore, #tpu.memory_space<semaphore_mem>> -> memref<!tpu.dma_semaphore, #tpu.memory_space<semaphore_mem>>
      %dma_start3A_140 = arith.constant 0 : i32
      %dma_start3A_141 = arith.constant 0 : i32
      %dma_start3A_142 = arith.constant 0 : i32
      %dma_start3A_143 = tpu.memref_slice %arg6[%dma_start3A_136, %dma_start3A_140, %dma_start3A_141, %dma_start3A_142] : memref<8x3x256x256xf32, #tpu.memory_space<vmem>> -> memref<1x3x256x256xf32, #tpu.memory_space<vmem>>
      %dma_start3A_144 = tpu.memref_squeeze %dma_start3A_143 : memref<1x3x256x256xf32, #tpu.memory_space<vmem>> -> memref<3x256x256xf32, #tpu.memory_space<vmem>>
      %dma_start3A_145 = arith.constant 0 : i32
      %dma_start3A_146 = arith.constant 0 : i32
      %dma_start3A_147 = arith.constant 0 : i32
      %dma_start3A_148 = tpu.memref_slice %arg3[%dma_start3A_135, %dma_start3A_145, %dma_start3A_146, %dma_start3A_147] : memref<64x3x256x256xf32, #tpu.memory_space<hbm>> -> memref<1x3x256x256xf32, #tpu.memory_space<hbm>>
      %dma_start3A_149 = tpu.memref_squeeze %dma_start3A_148 : memref<1x3x256x256xf32, #tpu.memory_space<hbm>> -> memref<3x256x256xf32, #tpu.memory_space<hbm>>
      tpu.enqueue_dma source(%dma_start3A_149 : memref<3x256x256xf32, #tpu.memory_space<hbm>>) target(%dma_start3A_144 : memref<3x256x256xf32, #tpu.memory_space<vmem>>) target_semaphore(%dma_start3A_139 : memref<!tpu.dma_semaphore, #tpu.memory_space<semaphore_mem>>)
      %dma_start3A_150 = arith.constant 2 : i32
      %dma_start3A_151 = arith.constant 2 : i32
      %dma_start3A_152 = arith.constant 2 : i32
      %dma_start3A_153 = tpu.memref_slice %arg10[%dma_start3A_152] : memref<8x!tpu.dma_semaphore, #tpu.memory_space<semaphore_mem>> -> memref<1x!tpu.dma_semaphore, #tpu.memory_space<semaphore_mem>>
      %dma_start3A_154 = tpu.memref_squeeze %dma_start3A_153 : memref<1x!tpu.dma_semaphore, #tpu.memory_space<semaphore_mem>> -> memref<!tpu.dma_semaphore, #tpu.memory_space<semaphore_mem>>
      %dma_start3A_155 = arith.constant 0 : i32
      %dma_start3A_156 = arith.constant 0 : i32
      %dma_start3A_157 = arith.constant 0 : i32
      %dma_start3A_158 = tpu.memref_slice %arg7[%dma_start3A_151, %dma_start3A_155, %dma_start3A_156, %dma_start3A_157] : memref<8x3x256x256xf32, #tpu.memory_space<vmem>> -> memref<1x3x256x256xf32, #tpu.memory_space<vmem>>
      %dma_start3A_159 = tpu.memref_squeeze %dma_start3A_158 : memref<1x3x256x256xf32, #tpu.memory_space<vmem>> -> memref<3x256x256xf32, #tpu.memory_space<vmem>>
      %dma_start3A_160 = arith.constant 0 : i32
      %dma_start3A_161 = arith.constant 0 : i32
      %dma_start3A_162 = arith.constant 0 : i32
      %dma_start3A_163 = tpu.memref_slice %arg4[%dma_start3A_150, %dma_start3A_160, %dma_start3A_161, %dma_start3A_162] : memref<64x3x256x256xf32, #tpu.memory_space<hbm>> -> memref<1x3x256x256xf32, #tpu.memory_space<hbm>>
      %dma_start3A_164 = tpu.memref_squeeze %dma_start3A_163 : memref<1x3x256x256xf32, #tpu.memory_space<hbm>> -> memref<3x256x256xf32, #tpu.memory_space<hbm>>
      tpu.enqueue_dma source(%dma_start3A_164 : memref<3x256x256xf32, #tpu.memory_space<hbm>>) target(%dma_start3A_159 : memref<3x256x256xf32, #tpu.memory_space<vmem>>) target_semaphore(%dma_start3A_154 : memref<!tpu.dma_semaphore, #tpu.memory_space<semaphore_mem>>)
      %dma_start3A_165 = arith.constant 3 : i32
      %dma_start3A_166 = arith.constant 3 : i32
      %dma_start3A_167 = arith.constant 3 : i32
      %dma_start3A_168 = tpu.memref_slice %arg9[%dma_start3A_167] : memref<8x!tpu.dma_semaphore, #tpu.memory_space<semaphore_mem>> -> memref<1x!tpu.dma_semaphore, #tpu.memory_space<semaphore_mem>>
      %dma_start3A_169 = tpu.memref_squeeze %dma_start3A_168 : memref<1x!tpu.dma_semaphore, #tpu.memory_space<semaphore_mem>> -> memref<!tpu.dma_semaphore, #tpu.memory_space<semaphore_mem>>
      %dma_start3A_170 = arith.constant 0 : i32
      %dma_start3A_171 = arith.constant 0 : i32
      %dma_start3A_172 = arith.constant 0 : i32
      %dma_start3A_173 = tpu.memref_slice %arg6[%dma_start3A_166, %dma_start3A_170, %dma_start3A_171, %dma_start3A_172] : memref<8x3x256x256xf32, #tpu.memory_space<vmem>> -> memref<1x3x256x256xf32, #tpu.memory_space<vmem>>
      %dma_start3A_174 = tpu.memref_squeeze %dma_start3A_173 : memref<1x3x256x256xf32, #tpu.memory_space<vmem>> -> memref<3x256x256xf32, #tpu.memory_space<vmem>>
      %dma_start3A_175 = arith.constant 0 : i32
      %dma_start3A_176 = arith.constant 0 : i32
      %dma_start3A_177 = arith.constant 0 : i32
      %dma_start3A_178 = tpu.memref_slice %arg3[%dma_start3A_165, %dma_start3A_175, %dma_start3A_176, %dma_start3A_177] : memref<64x3x256x256xf32, #tpu.memory_space<hbm>> -> memref<1x3x256x256xf32, #tpu.memory_space<hbm>>
      %dma_start3A_179 = tpu.memref_squeeze %dma_start3A_178 : memref<1x3x256x256xf32, #tpu.memory_space<hbm>> -> memref<3x256x256xf32, #tpu.memory_space<hbm>>
      tpu.enqueue_dma source(%dma_start3A_179 : memref<3x256x256xf32, #tpu.memory_space<hbm>>) target(%dma_start3A_174 : memref<3x256x256xf32, #tpu.memory_space<vmem>>) target_semaphore(%dma_start3A_169 : memref<!tpu.dma_semaphore, #tpu.memory_space<semaphore_mem>>)
      %dma_start3A_180 = arith.constant 3 : i32
      %dma_start3A_181 = arith.constant 3 : i32
      %dma_start3A_182 = arith.constant 3 : i32
      %dma_start3A_183 = tpu.memref_slice %arg10[%dma_start3A_182] : memref<8x!tpu.dma_semaphore, #tpu.memory_space<semaphore_mem>> -> memref<1x!tpu.dma_semaphore, #tpu.memory_space<semaphore_mem>>
      %dma_start3A_184 = tpu.memref_squeeze %dma_start3A_183 : memref<1x!tpu.dma_semaphore, #tpu.memory_space<semaphore_mem>> -> memref<!tpu.dma_semaphore, #tpu.memory_space<semaphore_mem>>
      %dma_start3A_185 = arith.constant 0 : i32
      %dma_start3A_186 = arith.constant 0 : i32
      %dma_start3A_187 = arith.constant 0 : i32
      %dma_start3A_188 = tpu.memref_slice %arg7[%dma_start3A_181, %dma_start3A_185, %dma_start3A_186, %dma_start3A_187] : memref<8x3x256x256xf32, #tpu.memory_space<vmem>> -> memref<1x3x256x256xf32, #tpu.memory_space<vmem>>
      %dma_start3A_189 = tpu.memref_squeeze %dma_start3A_188 : memref<1x3x256x256xf32, #tpu.memory_space<vmem>> -> memref<3x256x256xf32, #tpu.memory_space<vmem>>
      %dma_start3A_190 = arith.constant 0 : i32
      %dma_start3A_191 = arith.constant 0 : i32
      %dma_start3A_192 = arith.constant 0 : i32
      %dma_start3A_193 = tpu.memref_slice %arg4[%dma_start3A_180, %dma_start3A_190, %dma_start3A_191, %dma_start3A_192] : memref<64x3x256x256xf32, #tpu.memory_space<hbm>> -> memref<1x3x256x256xf32, #tpu.memory_space<hbm>>
      %dma_start3A_194 = tpu.memref_squeeze %dma_start3A_193 : memref<1x3x256x256xf32, #tpu.memory_space<hbm>> -> memref<3x256x256xf32, #tpu.memory_space<hbm>>
      tpu.enqueue_dma source(%dma_start3A_194 : memref<3x256x256xf32, #tpu.memory_space<hbm>>) target(%dma_start3A_189 : memref<3x256x256xf32, #tpu.memory_space<vmem>>) target_semaphore(%dma_start3A_184 : memref<!tpu.dma_semaphore, #tpu.memory_space<semaphore_mem>>)
      %dma_start3A_195 = arith.constant 4 : i32
      %dma_start3A_196 = arith.constant 4 : i32
      %dma_start3A_197 = arith.constant 4 : i32
      %dma_start3A_198 = tpu.memref_slice %arg9[%dma_start3A_197] : memref<8x!tpu.dma_semaphore, #tpu.memory_space<semaphore_mem>> -> memref<1x!tpu.dma_semaphore, #tpu.memory_space<semaphore_mem>>
      %dma_start3A_199 = tpu.memref_squeeze %dma_start3A_198 : memref<1x!tpu.dma_semaphore, #tpu.memory_space<semaphore_mem>> -> memref<!tpu.dma_semaphore, #tpu.memory_space<semaphore_mem>>
      %dma_start3A_200 = arith.constant 0 : i32
      %dma_start3A_201 = arith.constant 0 : i32
      %dma_start3A_202 = arith.constant 0 : i32
      %dma_start3A_203 = tpu.memref_slice %arg6[%dma_start3A_196, %dma_start3A_200, %dma_start3A_201, %dma_start3A_202] : memref<8x3x256x256xf32, #tpu.memory_space<vmem>> -> memref<1x3x256x256xf32, #tpu.memory_space<vmem>>
      %dma_start3A_204 = tpu.memref_squeeze %dma_start3A_203 : memref<1x3x256x256xf32, #tpu.memory_space<vmem>> -> memref<3x256x256xf32, #tpu.memory_space<vmem>>
      %dma_start3A_205 = arith.constant 0 : i32
      %dma_start3A_206 = arith.constant 0 : i32
      %dma_start3A_207 = arith.constant 0 : i32
      %dma_start3A_208 = tpu.memref_slice %arg3[%dma_start3A_195, %dma_start3A_205, %dma_start3A_206, %dma_start3A_207] : memref<64x3x256x256xf32, #tpu.memory_space<hbm>> -> memref<1x3x256x256xf32, #tpu.memory_space<hbm>>
      %dma_start3A_209 = tpu.memref_squeeze %dma_start3A_208 : memref<1x3x256x256xf32, #tpu.memory_space<hbm>> -> memref<3x256x256xf32, #tpu.memory_space<hbm>>
      tpu.enqueue_dma source(%dma_start3A_209 : memref<3x256x256xf32, #tpu.memory_space<hbm>>) target(%dma_start3A_204 : memref<3x256x256xf32, #tpu.memory_space<vmem>>) target_semaphore(%dma_start3A_199 : memref<!tpu.dma_semaphore, #tpu.memory_space<semaphore_mem>>)
      %dma_start3A_210 = arith.constant 4 : i32
      %dma_start3A_211 = arith.constant 4 : i32
      %dma_start3A_212 = arith.constant 4 : i32
      %dma_start3A_213 = tpu.memref_slice %arg10[%dma_start3A_212] : memref<8x!tpu.dma_semaphore, #tpu.memory_space<semaphore_mem>> -> memref<1x!tpu.dma_semaphore, #tpu.memory_space<semaphore_mem>>
      %dma_start3A_214 = tpu.memref_squeeze %dma_start3A_213 : memref<1x!tpu.dma_semaphore, #tpu.memory_space<semaphore_mem>> -> memref<!tpu.dma_semaphore, #tpu.memory_space<semaphore_mem>>
      %dma_start3A_215 = arith.constant 0 : i32
      %dma_start3A_216 = arith.constant 0 : i32
      %dma_start3A_217 = arith.constant 0 : i32
      %dma_start3A_218 = tpu.memref_slice %arg7[%dma_start3A_211, %dma_start3A_215, %dma_start3A_216, %dma_start3A_217] : memref<8x3x256x256xf32, #tpu.memory_space<vmem>> -> memref<1x3x256x256xf32, #tpu.memory_space<vmem>>
      %dma_start3A_219 = tpu.memref_squeeze %dma_start3A_218 : memref<1x3x256x256xf32, #tpu.memory_space<vmem>> -> memref<3x256x256xf32, #tpu.memory_space<vmem>>
      %dma_start3A_220 = arith.constant 0 : i32
      %dma_start3A_221 = arith.constant 0 : i32
      %dma_start3A_222 = arith.constant 0 : i32
      %dma_start3A_223 = tpu.memref_slice %arg4[%dma_start3A_210, %dma_start3A_220, %dma_start3A_221, %dma_start3A_222] : memref<64x3x256x256xf32, #tpu.memory_space<hbm>> -> memref<1x3x256x256xf32, #tpu.memory_space<hbm>>
      %dma_start3A_224 = tpu.memref_squeeze %dma_start3A_223 : memref<1x3x256x256xf32, #tpu.memory_space<hbm>> -> memref<3x256x256xf32, #tpu.memory_space<hbm>>
      tpu.enqueue_dma source(%dma_start3A_224 : memref<3x256x256xf32, #tpu.memory_space<hbm>>) target(%dma_start3A_219 : memref<3x256x256xf32, #tpu.memory_space<vmem>>) target_semaphore(%dma_start3A_214 : memref<!tpu.dma_semaphore, #tpu.memory_space<semaphore_mem>>)
      %dma_start3A_225 = arith.constant 5 : i32
      %dma_start3A_226 = arith.constant 5 : i32
      %dma_start3A_227 = arith.constant 5 : i32
      %dma_start3A_228 = tpu.memref_slice %arg9[%dma_start3A_227] : memref<8x!tpu.dma_semaphore, #tpu.memory_space<semaphore_mem>> -> memref<1x!tpu.dma_semaphore, #tpu.memory_space<semaphore_mem>>
      %dma_start3A_229 = tpu.memref_squeeze %dma_start3A_228 : memref<1x!tpu.dma_semaphore, #tpu.memory_space<semaphore_mem>> -> memref<!tpu.dma_semaphore, #tpu.memory_space<semaphore_mem>>
      %dma_start3A_230 = arith.constant 0 : i32
      %dma_start3A_231 = arith.constant 0 : i32
      %dma_start3A_232 = arith.constant 0 : i32
      %dma_start3A_233 = tpu.memref_slice %arg6[%dma_start3A_226, %dma_start3A_230, %dma_start3A_231, %dma_start3A_232] : memref<8x3x256x256xf32, #tpu.memory_space<vmem>> -> memref<1x3x256x256xf32, #tpu.memory_space<vmem>>
      %dma_start3A_234 = tpu.memref_squeeze %dma_start3A_233 : memref<1x3x256x256xf32, #tpu.memory_space<vmem>> -> memref<3x256x256xf32, #tpu.memory_space<vmem>>
      %dma_start3A_235 = arith.constant 0 : i32
      %dma_start3A_236 = arith.constant 0 : i32
      %dma_start3A_237 = arith.constant 0 : i32
      %dma_start3A_238 = tpu.memref_slice %arg3[%dma_start3A_225, %dma_start3A_235, %dma_start3A_236, %dma_start3A_237] : memref<64x3x256x256xf32, #tpu.memory_space<hbm>> -> memref<1x3x256x256xf32, #tpu.memory_space<hbm>>
      %dma_start3A_239 = tpu.memref_squeeze %dma_start3A_238 : memref<1x3x256x256xf32, #tpu.memory_space<hbm>> -> memref<3x256x256xf32, #tpu.memory_space<hbm>>
      tpu.enqueue_dma source(%dma_start3A_239 : memref<3x256x256xf32, #tpu.memory_space<hbm>>) target(%dma_start3A_234 : memref<3x256x256xf32, #tpu.memory_space<vmem>>) target_semaphore(%dma_start3A_229 : memref<!tpu.dma_semaphore, #tpu.memory_space<semaphore_mem>>)
      %dma_start3A_240 = arith.constant 5 : i32
      %dma_start3A_241 = arith.constant 5 : i32
      %dma_start3A_242 = arith.constant 5 : i32
      %dma_start3A_243 = tpu.memref_slice %arg10[%dma_start3A_242] : memref<8x!tpu.dma_semaphore, #tpu.memory_space<semaphore_mem>> -> memref<1x!tpu.dma_semaphore, #tpu.memory_space<semaphore_mem>>
      %dma_start3A_244 = tpu.memref_squeeze %dma_start3A_243 : memref<1x!tpu.dma_semaphore, #tpu.memory_space<semaphore_mem>> -> memref<!tpu.dma_semaphore, #tpu.memory_space<semaphore_mem>>
      %dma_start3A_245 = arith.constant 0 : i32
      %dma_start3A_246 = arith.constant 0 : i32
      %dma_start3A_247 = arith.constant 0 : i32
      %dma_start3A_248 = tpu.memref_slice %arg7[%dma_start3A_241, %dma_start3A_245, %dma_start3A_246, %dma_start3A_247] : memref<8x3x256x256xf32, #tpu.memory_space<vmem>> -> memref<1x3x256x256xf32, #tpu.memory_space<vmem>>
      %dma_start3A_249 = tpu.memref_squeeze %dma_start3A_248 : memref<1x3x256x256xf32, #tpu.memory_space<vmem>> -> memref<3x256x256xf32, #tpu.memory_space<vmem>>
      %dma_start3A_250 = arith.constant 0 : i32
      %dma_start3A_251 = arith.constant 0 : i32
      %dma_start3A_252 = arith.constant 0 : i32
      %dma_start3A_253 = tpu.memref_slice %arg4[%dma_start3A_240, %dma_start3A_250, %dma_start3A_251, %dma_start3A_252] : memref<64x3x256x256xf32, #tpu.memory_space<hbm>> -> memref<1x3x256x256xf32, #tpu.memory_space<hbm>>
      %dma_start3A_254 = tpu.memref_squeeze %dma_start3A_253 : memref<1x3x256x256xf32, #tpu.memory_space<hbm>> -> memref<3x256x256xf32, #tpu.memory_space<hbm>>
      tpu.enqueue_dma source(%dma_start3A_254 : memref<3x256x256xf32, #tpu.memory_space<hbm>>) target(%dma_start3A_249 : memref<3x256x256xf32, #tpu.memory_space<vmem>>) target_semaphore(%dma_start3A_244 : memref<!tpu.dma_semaphore, #tpu.memory_space<semaphore_mem>>)
      %dma_start3A_255 = arith.constant 6 : i32
      %dma_start3A_256 = arith.constant 6 : i32
      %dma_start3A_257 = arith.constant 6 : i32
      %dma_start3A_258 = tpu.memref_slice %arg9[%dma_start3A_257] : memref<8x!tpu.dma_semaphore, #tpu.memory_space<semaphore_mem>> -> memref<1x!tpu.dma_semaphore, #tpu.memory_space<semaphore_mem>>
      %dma_start3A_259 = tpu.memref_squeeze %dma_start3A_258 : memref<1x!tpu.dma_semaphore, #tpu.memory_space<semaphore_mem>> -> memref<!tpu.dma_semaphore, #tpu.memory_space<semaphore_mem>>
      %dma_start3A_260 = arith.constant 0 : i32
      %dma_start3A_261 = arith.constant 0 : i32
      %dma_start3A_262 = arith.constant 0 : i32
      %dma_start3A_263 = tpu.memref_slice %arg6[%dma_start3A_256, %dma_start3A_260, %dma_start3A_261, %dma_start3A_262] : memref<8x3x256x256xf32, #tpu.memory_space<vmem>> -> memref<1x3x256x256xf32, #tpu.memory_space<vmem>>
      %dma_start3A_264 = tpu.memref_squeeze %dma_start3A_263 : memref<1x3x256x256xf32, #tpu.memory_space<vmem>> -> memref<3x256x256xf32, #tpu.memory_space<vmem>>
      %dma_start3A_265 = arith.constant 0 : i32
      %dma_start3A_266 = arith.constant 0 : i32
      %dma_start3A_267 = arith.constant 0 : i32
      %dma_start3A_268 = tpu.memref_slice %arg3[%dma_start3A_255, %dma_start3A_265, %dma_start3A_266, %dma_start3A_267] : memref<64x3x256x256xf32, #tpu.memory_space<hbm>> -> memref<1x3x256x256xf32, #tpu.memory_space<hbm>>
      %dma_start3A_269 = tpu.memref_squeeze %dma_start3A_268 : memref<1x3x256x256xf32, #tpu.memory_space<hbm>> -> memref<3x256x256xf32, #tpu.memory_space<hbm>>
      tpu.enqueue_dma source(%dma_start3A_269 : memref<3x256x256xf32, #tpu.memory_space<hbm>>) target(%dma_start3A_264 : memref<3x256x256xf32, #tpu.memory_space<vmem>>) target_semaphore(%dma_start3A_259 : memref<!tpu.dma_semaphore, #tpu.memory_space<semaphore_mem>>)
      %dma_start3A_270 = arith.constant 6 : i32
      %dma_start3A_271 = arith.constant 6 : i32
      %dma_start3A_272 = arith.constant 6 : i32
      %dma_start3A_273 = tpu.memref_slice %arg10[%dma_start3A_272] : memref<8x!tpu.dma_semaphore, #tpu.memory_space<semaphore_mem>> -> memref<1x!tpu.dma_semaphore, #tpu.memory_space<semaphore_mem>>
      %dma_start3A_274 = tpu.memref_squeeze %dma_start3A_273 : memref<1x!tpu.dma_semaphore, #tpu.memory_space<semaphore_mem>> -> memref<!tpu.dma_semaphore, #tpu.memory_space<semaphore_mem>>
      %dma_start3A_275 = arith.constant 0 : i32
      %dma_start3A_276 = arith.constant 0 : i32
      %dma_start3A_277 = arith.constant 0 : i32
      %dma_start3A_278 = tpu.memref_slice %arg7[%dma_start3A_271, %dma_start3A_275, %dma_start3A_276, %dma_start3A_277] : memref<8x3x256x256xf32, #tpu.memory_space<vmem>> -> memref<1x3x256x256xf32, #tpu.memory_space<vmem>>
      %dma_start3A_279 = tpu.memref_squeeze %dma_start3A_278 : memref<1x3x256x256xf32, #tpu.memory_space<vmem>> -> memref<3x256x256xf32, #tpu.memory_space<vmem>>
      %dma_start3A_280 = arith.constant 0 : i32
      %dma_start3A_281 = arith.constant 0 : i32
      %dma_start3A_282 = arith.constant 0 : i32
      %dma_start3A_283 = tpu.memref_slice %arg4[%dma_start3A_270, %dma_start3A_280, %dma_start3A_281, %dma_start3A_282] : memref<64x3x256x256xf32, #tpu.memory_space<hbm>> -> memref<1x3x256x256xf32, #tpu.memory_space<hbm>>
      %dma_start3A_284 = tpu.memref_squeeze %dma_start3A_283 : memref<1x3x256x256xf32, #tpu.memory_space<hbm>> -> memref<3x256x256xf32, #tpu.memory_space<hbm>>
      tpu.enqueue_dma source(%dma_start3A_284 : memref<3x256x256xf32, #tpu.memory_space<hbm>>) target(%dma_start3A_279 : memref<3x256x256xf32, #tpu.memory_space<vmem>>) target_semaphore(%dma_start3A_274 : memref<!tpu.dma_semaphore, #tpu.memory_space<semaphore_mem>>)
      %dma_start3A_285 = arith.constant 7 : i32
      %dma_start3A_286 = arith.constant 7 : i32
      %dma_start3A_287 = arith.constant 7 : i32
      %dma_start3A_288 = tpu.memref_slice %arg9[%dma_start3A_287] : memref<8x!tpu.dma_semaphore, #tpu.memory_space<semaphore_mem>> -> memref<1x!tpu.dma_semaphore, #tpu.memory_space<semaphore_mem>>
      %dma_start3A_289 = tpu.memref_squeeze %dma_start3A_288 : memref<1x!tpu.dma_semaphore, #tpu.memory_space<semaphore_mem>> -> memref<!tpu.dma_semaphore, #tpu.memory_space<semaphore_mem>>
      %dma_start3A_290 = arith.constant 0 : i32
      %dma_start3A_291 = arith.constant 0 : i32
      %dma_start3A_292 = arith.constant 0 : i32
      %dma_start3A_293 = tpu.memref_slice %arg6[%dma_start3A_286, %dma_start3A_290, %dma_start3A_291, %dma_start3A_292] : memref<8x3x256x256xf32, #tpu.memory_space<vmem>> -> memref<1x3x256x256xf32, #tpu.memory_space<vmem>>
      %dma_start3A_294 = tpu.memref_squeeze %dma_start3A_293 : memref<1x3x256x256xf32, #tpu.memory_space<vmem>> -> memref<3x256x256xf32, #tpu.memory_space<vmem>>
      %dma_start3A_295 = arith.constant 0 : i32
      %dma_start3A_296 = arith.constant 0 : i32
      %dma_start3A_297 = arith.constant 0 : i32
      %dma_start3A_298 = tpu.memref_slice %arg3[%dma_start3A_285, %dma_start3A_295, %dma_start3A_296, %dma_start3A_297] : memref<64x3x256x256xf32, #tpu.memory_space<hbm>> -> memref<1x3x256x256xf32, #tpu.memory_space<hbm>>
      %dma_start3A_299 = tpu.memref_squeeze %dma_start3A_298 : memref<1x3x256x256xf32, #tpu.memory_space<hbm>> -> memref<3x256x256xf32, #tpu.memory_space<hbm>>
      tpu.enqueue_dma source(%dma_start3A_299 : memref<3x256x256xf32, #tpu.memory_space<hbm>>) target(%dma_start3A_294 : memref<3x256x256xf32, #tpu.memory_space<vmem>>) target_semaphore(%dma_start3A_289 : memref<!tpu.dma_semaphore, #tpu.memory_space<semaphore_mem>>)
      %dma_start3A_300 = arith.constant 7 : i32
      %dma_start3A_301 = arith.constant 7 : i32
      %dma_start3A_302 = arith.constant 7 : i32
      %dma_start3A_303 = tpu.memref_slice %arg10[%dma_start3A_302] : memref<8x!tpu.dma_semaphore, #tpu.memory_space<semaphore_mem>> -> memref<1x!tpu.dma_semaphore, #tpu.memory_space<semaphore_mem>>
      %dma_start3A_304 = tpu.memref_squeeze %dma_start3A_303 : memref<1x!tpu.dma_semaphore, #tpu.memory_space<semaphore_mem>> -> memref<!tpu.dma_semaphore, #tpu.memory_space<semaphore_mem>>
      %dma_start3A_305 = arith.constant 0 : i32
      %dma_start3A_306 = arith.constant 0 : i32
      %dma_start3A_307 = arith.constant 0 : i32
      %dma_start3A_308 = tpu.memref_slice %arg7[%dma_start3A_301, %dma_start3A_305, %dma_start3A_306, %dma_start3A_307] : memref<8x3x256x256xf32, #tpu.memory_space<vmem>> -> memref<1x3x256x256xf32, #tpu.memory_space<vmem>>
      %dma_start3A_309 = tpu.memref_squeeze %dma_start3A_308 : memref<1x3x256x256xf32, #tpu.memory_space<vmem>> -> memref<3x256x256xf32, #tpu.memory_space<vmem>>
      %dma_start3A_310 = arith.constant 0 : i32
      %dma_start3A_311 = arith.constant 0 : i32
      %dma_start3A_312 = arith.constant 0 : i32
      %dma_start3A_313 = tpu.memref_slice %arg4[%dma_start3A_300, %dma_start3A_310, %dma_start3A_311, %dma_start3A_312] : memref<64x3x256x256xf32, #tpu.memory_space<hbm>> -> memref<1x3x256x256xf32, #tpu.memory_space<hbm>>
      %dma_start3A_314 = tpu.memref_squeeze %dma_start3A_313 : memref<1x3x256x256xf32, #tpu.memory_space<hbm>> -> memref<3x256x256xf32, #tpu.memory_space<hbm>>
      tpu.enqueue_dma source(%dma_start3A_314 : memref<3x256x256xf32, #tpu.memory_space<hbm>>) target(%dma_start3A_309 : memref<3x256x256xf32, #tpu.memory_space<vmem>>) target_semaphore(%dma_start3A_304 : memref<!tpu.dma_semaphore, #tpu.memory_space<semaphore_mem>>)
    } else {
    }
    %dma_wait3A = tpu.memref_slice %arg9[%rem3A_0] : memref<8x!tpu.dma_semaphore, #tpu.memory_space<semaphore_mem>> -> memref<1x!tpu.dma_semaphore, #tpu.memory_space<semaphore_mem>>
    %dma_wait3A_3 = tpu.memref_squeeze %dma_wait3A : memref<1x!tpu.dma_semaphore, #tpu.memory_space<semaphore_mem>> -> memref<!tpu.dma_semaphore, #tpu.memory_space<semaphore_mem>>
    %dma_wait3A_4 = arith.constant 0 : i32
    %dma_wait3A_5 = arith.constant 0 : i32
    %dma_wait3A_6 = arith.constant 0 : i32
    %dma_wait3A_7 = tpu.memref_slice %arg6[%rem3A_0, %dma_wait3A_4, %dma_wait3A_5, %dma_wait3A_6] : memref<8x3x256x256xf32, #tpu.memory_space<vmem>> -> memref<1x3x256x256xf32, #tpu.memory_space<vmem>>
    %dma_wait3A_8 = tpu.memref_squeeze %dma_wait3A_7 : memref<1x3x256x256xf32, #tpu.memory_space<vmem>> -> memref<3x256x256xf32, #tpu.memory_space<vmem>>
    %dma_wait3A_9 = arith.constant 0 : i32
    %dma_wait3A_10 = arith.constant 0 : i32
    %dma_wait3A_11 = arith.constant 0 : i32
    %dma_wait3A_12 = tpu.memref_slice %arg3[%arg0, %dma_wait3A_9, %dma_wait3A_10, %dma_wait3A_11] : memref<64x3x256x256xf32, #tpu.memory_space<hbm>> -> memref<1x3x256x256xf32, #tpu.memory_space<hbm>>
    %dma_wait3A_13 = tpu.memref_squeeze %dma_wait3A_12 : memref<1x3x256x256xf32, #tpu.memory_space<hbm>> -> memref<3x256x256xf32, #tpu.memory_space<hbm>>
    tpu.wait_dma2 semaphore(%dma_wait3A_3 : memref<!tpu.dma_semaphore, #tpu.memory_space<semaphore_mem>>) src(%dma_wait3A_13 : memref<3x256x256xf32, #tpu.memory_space<hbm>>) dst(%dma_wait3A_8 : memref<3x256x256xf32, #tpu.memory_space<vmem>>)
    %dma_wait3A_14 = tpu.memref_slice %arg10[%rem3A_0] : memref<8x!tpu.dma_semaphore, #tpu.memory_space<semaphore_mem>> -> memref<1x!tpu.dma_semaphore, #tpu.memory_space<semaphore_mem>>
    %dma_wait3A_15 = tpu.memref_squeeze %dma_wait3A_14 : memref<1x!tpu.dma_semaphore, #tpu.memory_space<semaphore_mem>> -> memref<!tpu.dma_semaphore, #tpu.memory_space<semaphore_mem>>
    %dma_wait3A_16 = arith.constant 0 : i32
    %dma_wait3A_17 = arith.constant 0 : i32
    %dma_wait3A_18 = arith.constant 0 : i32
    %dma_wait3A_19 = tpu.memref_slice %arg7[%rem3A_0, %dma_wait3A_16, %dma_wait3A_17, %dma_wait3A_18] : memref<8x3x256x256xf32, #tpu.memory_space<vmem>> -> memref<1x3x256x256xf32, #tpu.memory_space<vmem>>
    %dma_wait3A_20 = tpu.memref_squeeze %dma_wait3A_19 : memref<1x3x256x256xf32, #tpu.memory_space<vmem>> -> memref<3x256x256xf32, #tpu.memory_space<vmem>>
    %dma_wait3A_21 = arith.constant 0 : i32
    %dma_wait3A_22 = arith.constant 0 : i32
    %dma_wait3A_23 = arith.constant 0 : i32
    %dma_wait3A_24 = tpu.memref_slice %arg4[%arg0, %dma_wait3A_21, %dma_wait3A_22, %dma_wait3A_23] : memref<64x3x256x256xf32, #tpu.memory_space<hbm>> -> memref<1x3x256x256xf32, #tpu.memory_space<hbm>>
    %dma_wait3A_25 = tpu.memref_squeeze %dma_wait3A_24 : memref<1x3x256x256xf32, #tpu.memory_space<hbm>> -> memref<3x256x256xf32, #tpu.memory_space<hbm>>
    tpu.wait_dma2 semaphore(%dma_wait3A_15 : memref<!tpu.dma_semaphore, #tpu.memory_space<semaphore_mem>>) src(%dma_wait3A_25 : memref<3x256x256xf32, #tpu.memory_space<hbm>>) dst(%dma_wait3A_20 : memref<3x256x256xf32, #tpu.memory_space<vmem>>)
    %ge3A = arith.constant 8 : i32
    %ge3A_26 = arith.cmpi sge, %arg0, %ge3A : i32
    %convert_element_type3A_27 = arith.extui %ge3A_26 : i1 to i32
    %cond3A_28 = arith.constant 0 : i32
    %cond3A_29 = arith.cmpi ne, %convert_element_type3A_27, %cond3A_28 : i32
    scf.if %cond3A_29 {
      %sub3A_75 = arith.constant 8 : i32
      %sub3A_76 = arith.subi %arg0, %sub3A_75 : i32
      %dma_wait3A_77 = tpu.memref_slice %arg11[%rem3A_0] : memref<8x!tpu.dma_semaphore, #tpu.memory_space<semaphore_mem>> -> memref<1x!tpu.dma_semaphore, #tpu.memory_space<semaphore_mem>>
      %dma_wait3A_78 = tpu.memref_squeeze %dma_wait3A_77 : memref<1x!tpu.dma_semaphore, #tpu.memory_space<semaphore_mem>> -> memref<!tpu.dma_semaphore, #tpu.memory_space<semaphore_mem>>
      %dma_wait3A_79 = arith.constant 0 : i32
      %dma_wait3A_80 = arith.constant 0 : i32
      %dma_wait3A_81 = arith.constant 0 : i32
      %dma_wait3A_82 = tpu.memref_slice %arg5[%sub3A_76, %dma_wait3A_79, %dma_wait3A_80, %dma_wait3A_81] : memref<64x3x256x256xf32, #tpu.memory_space<hbm>> -> memref<1x3x256x256xf32, #tpu.memory_space<hbm>>
      %dma_wait3A_83 = tpu.memref_squeeze %dma_wait3A_82 : memref<1x3x256x256xf32, #tpu.memory_space<hbm>> -> memref<3x256x256xf32, #tpu.memory_space<hbm>>
      %dma_wait3A_84 = arith.constant 0 : i32
      %dma_wait3A_85 = arith.constant 0 : i32
      %dma_wait3A_86 = arith.constant 0 : i32
      %dma_wait3A_87 = tpu.memref_slice %arg8[%rem3A_0, %dma_wait3A_84, %dma_wait3A_85, %dma_wait3A_86] : memref<8x3x256x256xf32, #tpu.memory_space<vmem>> -> memref<1x3x256x256xf32, #tpu.memory_space<vmem>>
      %dma_wait3A_88 = tpu.memref_squeeze %dma_wait3A_87 : memref<1x3x256x256xf32, #tpu.memory_space<vmem>> -> memref<3x256x256xf32, #tpu.memory_space<vmem>>
      tpu.wait_dma2 semaphore(%dma_wait3A_78 : memref<!tpu.dma_semaphore, #tpu.memory_space<semaphore_mem>>) src(%dma_wait3A_88 : memref<3x256x256xf32, #tpu.memory_space<vmem>>) dst(%dma_wait3A_83 : memref<3x256x256xf32, #tpu.memory_space<hbm>>)
    } else {
    }
    %get3A = arith.index_cast %arg0 : i32 to index
    %get3A_30 = memref.load %arg1[%get3A] : memref<64xf32, #tpu.memory_space<smem>>
    %get3A_31 = arith.index_cast %rem3A_0 : i32 to index
    %get3A_32 = arith.constant 0 : index
    %get3A_33 = arith.constant 0 : index
    %get3A_34 = arith.constant 0 : index
    %get3A_35 = vector.load %arg6[%get3A_31, %get3A_32, %get3A_33, %get3A_34] : memref<8x3x256x256xf32, #tpu.memory_space<vmem>>, vector<1x3x256x256xf32>
    %get3A_36 = vector.shape_cast %get3A_35 : vector<1x3x256x256xf32> to vector<3x256x256xf32>
    %mul3A = vector.broadcast %get3A_30 : f32 to vector<3x256x256xf32>
    %mul3A_37 = arith.mulf %mul3A, %get3A_36 : vector<3x256x256xf32>
    %get3A_38 = arith.index_cast %arg0 : i32 to index
    %get3A_39 = memref.load %arg2[%get3A_38] : memref<64xf32, #tpu.memory_space<smem>>
    %get3A_40 = arith.index_cast %rem3A_0 : i32 to index
    %get3A_41 = arith.constant 0 : index
    %get3A_42 = arith.constant 0 : index
    %get3A_43 = arith.constant 0 : index
    %get3A_44 = vector.load %arg7[%get3A_40, %get3A_41, %get3A_42, %get3A_43] : memref<8x3x256x256xf32, #tpu.memory_space<vmem>>, vector<1x3x256x256xf32>
    %get3A_45 = vector.shape_cast %get3A_44 : vector<1x3x256x256xf32> to vector<3x256x256xf32>
    %mul3A_46 = vector.broadcast %get3A_39 : f32 to vector<3x256x256xf32>
    %mul3A_47 = arith.mulf %mul3A_46, %get3A_45 : vector<3x256x256xf32>
    %sub3A = arith.subf %mul3A_37, %mul3A_47 : vector<3x256x256xf32>
    %swap3A = arith.index_cast %rem3A_0 : i32 to index
    %swap3A_48 = arith.constant 0 : index
    %swap3A_49 = arith.constant 0 : index
    %swap3A_50 = arith.constant 0 : index
    %swap3A_51 = vector.load %arg8[%swap3A, %swap3A_48, %swap3A_49, %swap3A_50] : memref<8x3x256x256xf32, #tpu.memory_space<vmem>>, vector<1x3x256x256xf32>
    %swap3A_52 = vector.shape_cast %swap3A_51 : vector<1x3x256x256xf32> to vector<3x256x256xf32>
    %swap3A_53 = vector.shape_cast %sub3A : vector<3x256x256xf32> to vector<1x3x256x256xf32>
    tpu.vector_store %arg8[%swap3A, %swap3A_48, %swap3A_49, %swap3A_50], %swap3A_53 {strides = array<i32>} : memref<8x3x256x256xf32, #tpu.memory_space<vmem>>, vector<1x3x256x256xf32>,
    %dma_start3A = tpu.memref_slice %arg11[%rem3A_0] : memref<8x!tpu.dma_semaphore, #tpu.memory_space<semaphore_mem>> -> memref<1x!tpu.dma_semaphore, #tpu.memory_space<semaphore_mem>>
    %dma_start3A_54 = tpu.memref_squeeze %dma_start3A : memref<1x!tpu.dma_semaphore, #tpu.memory_space<semaphore_mem>> -> memref<!tpu.dma_semaphore, #tpu.memory_space<semaphore_mem>>
    %dma_start3A_55 = arith.constant 0 : i32
    %dma_start3A_56 = arith.constant 0 : i32
    %dma_start3A_57 = arith.constant 0 : i32
    %dma_start3A_58 = tpu.memref_slice %arg5[%arg0, %dma_start3A_55, %dma_start3A_56, %dma_start3A_57] : memref<64x3x256x256xf32, #tpu.memory_space<hbm>> -> memref<1x3x256x256xf32, #tpu.memory_space<hbm>>
    %dma_start3A_59 = tpu.memref_squeeze %dma_start3A_58 : memref<1x3x256x256xf32, #tpu.memory_space<hbm>> -> memref<3x256x256xf32, #tpu.memory_space<hbm>>
    %dma_start3A_60 = arith.constant 0 : i32
    %dma_start3A_61 = arith.constant 0 : i32
    %dma_start3A_62 = arith.constant 0 : i32
    %dma_start3A_63 = tpu.memref_slice %arg8[%rem3A_0, %dma_start3A_60, %dma_start3A_61, %dma_start3A_62] : memref<8x3x256x256xf32, #tpu.memory_space<vmem>> -> memref<1x3x256x256xf32, #tpu.memory_space<vmem>>
    %dma_start3A_64 = tpu.memref_squeeze %dma_start3A_63 : memref<1x3x256x256xf32, #tpu.memory_space<vmem>> -> memref<3x256x256xf32, #tpu.memory_space<vmem>>
    tpu.enqueue_dma source(%dma_start3A_64 : memref<3x256x256xf32, #tpu.memory_space<vmem>>) target(%dma_start3A_59 : memref<3x256x256xf32, #tpu.memory_space<hbm>>) target_semaphore(%dma_start3A_54 : memref<!tpu.dma_semaphore, #tpu.memory_space<semaphore_mem>>)
    %add3A = arith.constant 8 : i32
    %add3A_65 = arith.addi %arg0, %add3A : i32
    %lt3A = arith.constant 64 : i32
    %lt3A_66 = arith.cmpi slt, %add3A_65, %lt3A : i32
    %convert_element_type3A_67 = arith.extui %lt3A_66 : i1 to i32
    %cond3A_68 = arith.constant 0 : i32
    %cond3A_69 = arith.cmpi ne, %convert_element_type3A_67, %cond3A_68 : i32
    scf.if %cond3A_69 {
      %add3A_75 = arith.constant 8 : i32
      %add3A_76 = arith.addi %arg0, %add3A_75 : i32
      %dma_start3A_77 = tpu.memref_slice %arg9[%rem3A_0] : memref<8x!tpu.dma_semaphore, #tpu.memory_space<semaphore_mem>> -> memref<1x!tpu.dma_semaphore, #tpu.memory_space<semaphore_mem>>
      %dma_start3A_78 = tpu.memref_squeeze %dma_start3A_77 : memref<1x!tpu.dma_semaphore, #tpu.memory_space<semaphore_mem>> -> memref<!tpu.dma_semaphore, #tpu.memory_space<semaphore_mem>>
      %dma_start3A_79 = arith.constant 0 : i32
      %dma_start3A_80 = arith.constant 0 : i32
      %dma_start3A_81 = arith.constant 0 : i32
      %dma_start3A_82 = tpu.memref_slice %arg6[%rem3A_0, %dma_start3A_79, %dma_start3A_80, %dma_start3A_81] : memref<8x3x256x256xf32, #tpu.memory_space<vmem>> -> memref<1x3x256x256xf32, #tpu.memory_space<vmem>>
      %dma_start3A_83 = tpu.memref_squeeze %dma_start3A_82 : memref<1x3x256x256xf32, #tpu.memory_space<vmem>> -> memref<3x256x256xf32, #tpu.memory_space<vmem>>
      %dma_start3A_84 = arith.constant 0 : i32
      %dma_start3A_85 = arith.constant 0 : i32
      %dma_start3A_86 = arith.constant 0 : i32
      %dma_start3A_87 = tpu.memref_slice %arg3[%add3A_76, %dma_start3A_84, %dma_start3A_85, %dma_start3A_86] : memref<64x3x256x256xf32, #tpu.memory_space<hbm>> -> memref<1x3x256x256xf32, #tpu.memory_space<hbm>>
      %dma_start3A_88 = tpu.memref_squeeze %dma_start3A_87 : memref<1x3x256x256xf32, #tpu.memory_space<hbm>> -> memref<3x256x256xf32, #tpu.memory_space<hbm>>
      tpu.enqueue_dma source(%dma_start3A_88 : memref<3x256x256xf32, #tpu.memory_space<hbm>>) target(%dma_start3A_83 : memref<3x256x256xf32, #tpu.memory_space<vmem>>) target_semaphore(%dma_start3A_78 : memref<!tpu.dma_semaphore, #tpu.memory_space<semaphore_mem>>)
      %add3A_89 = arith.constant 8 : i32
      %add3A_90 = arith.addi %arg0, %add3A_89 : i32
      %dma_start3A_91 = tpu.memref_slice %arg10[%rem3A_0] : memref<8x!tpu.dma_semaphore, #tpu.memory_space<semaphore_mem>> -> memref<1x!tpu.dma_semaphore, #tpu.memory_space<semaphore_mem>>
      %dma_start3A_92 = tpu.memref_squeeze %dma_start3A_91 : memref<1x!tpu.dma_semaphore, #tpu.memory_space<semaphore_mem>> -> memref<!tpu.dma_semaphore, #tpu.memory_space<semaphore_mem>>
      %dma_start3A_93 = arith.constant 0 : i32
      %dma_start3A_94 = arith.constant 0 : i32
      %dma_start3A_95 = arith.constant 0 : i32
      %dma_start3A_96 = tpu.memref_slice %arg7[%rem3A_0, %dma_start3A_93, %dma_start3A_94, %dma_start3A_95] : memref<8x3x256x256xf32, #tpu.memory_space<vmem>> -> memref<1x3x256x256xf32, #tpu.memory_space<vmem>>
      %dma_start3A_97 = tpu.memref_squeeze %dma_start3A_96 : memref<1x3x256x256xf32, #tpu.memory_space<vmem>> -> memref<3x256x256xf32, #tpu.memory_space<vmem>>
      %dma_start3A_98 = arith.constant 0 : i32
      %dma_start3A_99 = arith.constant 0 : i32
      %dma_start3A_100 = arith.constant 0 : i32
      %dma_start3A_101 = tpu.memref_slice %arg4[%add3A_90, %dma_start3A_98, %dma_start3A_99, %dma_start3A_100] : memref<64x3x256x256xf32, #tpu.memory_space<hbm>> -> memref<1x3x256x256xf32, #tpu.memory_space<hbm>>
      %dma_start3A_102 = tpu.memref_squeeze %dma_start3A_101 : memref<1x3x256x256xf32, #tpu.memory_space<hbm>> -> memref<3x256x256xf32, #tpu.memory_space<hbm>>
      tpu.enqueue_dma source(%dma_start3A_102 : memref<3x256x256xf32, #tpu.memory_space<hbm>>) target(%dma_start3A_97 : memref<3x256x256xf32, #tpu.memory_space<vmem>>) target_semaphore(%dma_start3A_92 : memref<!tpu.dma_semaphore, #tpu.memory_space<semaphore_mem>>)
    } else {
    }
    %eq3A_70 = arith.constant 63 : i32
    %eq3A_71 = arith.cmpi eq, %arg0, %eq3A_70 : i32
    %convert_element_type3A_72 = arith.extui %eq3A_71 : i1 to i32
    %cond3A_73 = arith.constant 0 : i32
    %cond3A_74 = arith.cmpi ne, %convert_element_type3A_72, %cond3A_73 : i32
    scf.if %cond3A_74 {
      %dma_wait3A_75 = arith.constant 0 : i32
      %dma_wait3A_76 = arith.constant 56 : i32
      %dma_wait3A_77 = arith.constant 0 : i32
      %dma_wait3A_78 = tpu.memref_slice %arg11[%dma_wait3A_77] : memref<8x!tpu.dma_semaphore, #tpu.memory_space<semaphore_mem>> -> memref<1x!tpu.dma_semaphore, #tpu.memory_space<semaphore_mem>>
      %dma_wait3A_79 = tpu.memref_squeeze %dma_wait3A_78 : memref<1x!tpu.dma_semaphore, #tpu.memory_space<semaphore_mem>> -> memref<!tpu.dma_semaphore, #tpu.memory_space<semaphore_mem>>
      %dma_wait3A_80 = arith.constant 0 : i32
      %dma_wait3A_81 = arith.constant 0 : i32
      %dma_wait3A_82 = arith.constant 0 : i32
      %dma_wait3A_83 = tpu.memref_slice %arg5[%dma_wait3A_76, %dma_wait3A_80, %dma_wait3A_81, %dma_wait3A_82] : memref<64x3x256x256xf32, #tpu.memory_space<hbm>> -> memref<1x3x256x256xf32, #tpu.memory_space<hbm>>
      %dma_wait3A_84 = tpu.memref_squeeze %dma_wait3A_83 : memref<1x3x256x256xf32, #tpu.memory_space<hbm>> -> memref<3x256x256xf32, #tpu.memory_space<hbm>>
      %dma_wait3A_85 = arith.constant 0 : i32
      %dma_wait3A_86 = arith.constant 0 : i32
      %dma_wait3A_87 = arith.constant 0 : i32
      %dma_wait3A_88 = tpu.memref_slice %arg8[%dma_wait3A_75, %dma_wait3A_85, %dma_wait3A_86, %dma_wait3A_87] : memref<8x3x256x256xf32, #tpu.memory_space<vmem>> -> memref<1x3x256x256xf32, #tpu.memory_space<vmem>>
      %dma_wait3A_89 = tpu.memref_squeeze %dma_wait3A_88 : memref<1x3x256x256xf32, #tpu.memory_space<vmem>> -> memref<3x256x256xf32, #tpu.memory_space<vmem>>
      tpu.wait_dma2 semaphore(%dma_wait3A_79 : memref<!tpu.dma_semaphore, #tpu.memory_space<semaphore_mem>>) src(%dma_wait3A_89 : memref<3x256x256xf32, #tpu.memory_space<vmem>>) dst(%dma_wait3A_84 : memref<3x256x256xf32, #tpu.memory_space<hbm>>)
      %dma_wait3A_90 = arith.constant 1 : i32
      %dma_wait3A_91 = arith.constant 57 : i32
      %dma_wait3A_92 = arith.constant 1 : i32
      %dma_wait3A_93 = tpu.memref_slice %arg11[%dma_wait3A_92] : memref<8x!tpu.dma_semaphore, #tpu.memory_space<semaphore_mem>> -> memref<1x!tpu.dma_semaphore, #tpu.memory_space<semaphore_mem>>
      %dma_wait3A_94 = tpu.memref_squeeze %dma_wait3A_93 : memref<1x!tpu.dma_semaphore, #tpu.memory_space<semaphore_mem>> -> memref<!tpu.dma_semaphore, #tpu.memory_space<semaphore_mem>>
      %dma_wait3A_95 = arith.constant 0 : i32
      %dma_wait3A_96 = arith.constant 0 : i32
      %dma_wait3A_97 = arith.constant 0 : i32
      %dma_wait3A_98 = tpu.memref_slice %arg5[%dma_wait3A_91, %dma_wait3A_95, %dma_wait3A_96, %dma_wait3A_97] : memref<64x3x256x256xf32, #tpu.memory_space<hbm>> -> memref<1x3x256x256xf32, #tpu.memory_space<hbm>>
      %dma_wait3A_99 = tpu.memref_squeeze %dma_wait3A_98 : memref<1x3x256x256xf32, #tpu.memory_space<hbm>> -> memref<3x256x256xf32, #tpu.memory_space<hbm>>
      %dma_wait3A_100 = arith.constant 0 : i32
      %dma_wait3A_101 = arith.constant 0 : i32
      %dma_wait3A_102 = arith.constant 0 : i32
      %dma_wait3A_103 = tpu.memref_slice %arg8[%dma_wait3A_90, %dma_wait3A_100, %dma_wait3A_101, %dma_wait3A_102] : memref<8x3x256x256xf32, #tpu.memory_space<vmem>> -> memref<1x3x256x256xf32, #tpu.memory_space<vmem>>
      %dma_wait3A_104 = tpu.memref_squeeze %dma_wait3A_103 : memref<1x3x256x256xf32, #tpu.memory_space<vmem>> -> memref<3x256x256xf32, #tpu.memory_space<vmem>>
      tpu.wait_dma2 semaphore(%dma_wait3A_94 : memref<!tpu.dma_semaphore, #tpu.memory_space<semaphore_mem>>) src(%dma_wait3A_104 : memref<3x256x256xf32, #tpu.memory_space<vmem>>) dst(%dma_wait3A_99 : memref<3x256x256xf32, #tpu.memory_space<hbm>>)
      %dma_wait3A_105 = arith.constant 2 : i32
      %dma_wait3A_106 = arith.constant 58 : i32
      %dma_wait3A_107 = arith.constant 2 : i32
      %dma_wait3A_108 = tpu.memref_slice %arg11[%dma_wait3A_107] : memref<8x!tpu.dma_semaphore, #tpu.memory_space<semaphore_mem>> -> memref<1x!tpu.dma_semaphore, #tpu.memory_space<semaphore_mem>>
      %dma_wait3A_109 = tpu.memref_squeeze %dma_wait3A_108 : memref<1x!tpu.dma_semaphore, #tpu.memory_space<semaphore_mem>> -> memref<!tpu.dma_semaphore, #tpu.memory_space<semaphore_mem>>
      %dma_wait3A_110 = arith.constant 0 : i32
      %dma_wait3A_111 = arith.constant 0 : i32
      %dma_wait3A_112 = arith.constant 0 : i32
      %dma_wait3A_113 = tpu.memref_slice %arg5[%dma_wait3A_106, %dma_wait3A_110, %dma_wait3A_111, %dma_wait3A_112] : memref<64x3x256x256xf32, #tpu.memory_space<hbm>> -> memref<1x3x256x256xf32, #tpu.memory_space<hbm>>
      %dma_wait3A_114 = tpu.memref_squeeze %dma_wait3A_113 : memref<1x3x256x256xf32, #tpu.memory_space<hbm>> -> memref<3x256x256xf32, #tpu.memory_space<hbm>>
      %dma_wait3A_115 = arith.constant 0 : i32
      %dma_wait3A_116 = arith.constant 0 : i32
      %dma_wait3A_117 = arith.constant 0 : i32
      %dma_wait3A_118 = tpu.memref_slice %arg8[%dma_wait3A_105, %dma_wait3A_115, %dma_wait3A_116, %dma_wait3A_117] : memref<8x3x256x256xf32, #tpu.memory_space<vmem>> -> memref<1x3x256x256xf32, #tpu.memory_space<vmem>>
      %dma_wait3A_119 = tpu.memref_squeeze %dma_wait3A_118 : memref<1x3x256x256xf32, #tpu.memory_space<vmem>> -> memref<3x256x256xf32, #tpu.memory_space<vmem>>
      tpu.wait_dma2 semaphore(%dma_wait3A_109 : memref<!tpu.dma_semaphore, #tpu.memory_space<semaphore_mem>>) src(%dma_wait3A_119 : memref<3x256x256xf32, #tpu.memory_space<vmem>>) dst(%dma_wait3A_114 : memref<3x256x256xf32, #tpu.memory_space<hbm>>)
      %dma_wait3A_120 = arith.constant 3 : i32
      %dma_wait3A_121 = arith.constant 59 : i32
      %dma_wait3A_122 = arith.constant 3 : i32
      %dma_wait3A_123 = tpu.memref_slice %arg11[%dma_wait3A_122] : memref<8x!tpu.dma_semaphore, #tpu.memory_space<semaphore_mem>> -> memref<1x!tpu.dma_semaphore, #tpu.memory_space<semaphore_mem>>
      %dma_wait3A_124 = tpu.memref_squeeze %dma_wait3A_123 : memref<1x!tpu.dma_semaphore, #tpu.memory_space<semaphore_mem>> -> memref<!tpu.dma_semaphore, #tpu.memory_space<semaphore_mem>>
      %dma_wait3A_125 = arith.constant 0 : i32
      %dma_wait3A_126 = arith.constant 0 : i32
      %dma_wait3A_127 = arith.constant 0 : i32
      %dma_wait3A_128 = tpu.memref_slice %arg5[%dma_wait3A_121, %dma_wait3A_125, %dma_wait3A_126, %dma_wait3A_127] : memref<64x3x256x256xf32, #tpu.memory_space<hbm>> -> memref<1x3x256x256xf32, #tpu.memory_space<hbm>>
      %dma_wait3A_129 = tpu.memref_squeeze %dma_wait3A_128 : memref<1x3x256x256xf32, #tpu.memory_space<hbm>> -> memref<3x256x256xf32, #tpu.memory_space<hbm>>
      %dma_wait3A_130 = arith.constant 0 : i32
      %dma_wait3A_131 = arith.constant 0 : i32
      %dma_wait3A_132 = arith.constant 0 : i32
      %dma_wait3A_133 = tpu.memref_slice %arg8[%dma_wait3A_120, %dma_wait3A_130, %dma_wait3A_131, %dma_wait3A_132] : memref<8x3x256x256xf32, #tpu.memory_space<vmem>> -> memref<1x3x256x256xf32, #tpu.memory_space<vmem>>
      %dma_wait3A_134 = tpu.memref_squeeze %dma_wait3A_133 : memref<1x3x256x256xf32, #tpu.memory_space<vmem>> -> memref<3x256x256xf32, #tpu.memory_space<vmem>>
      tpu.wait_dma2 semaphore(%dma_wait3A_124 : memref<!tpu.dma_semaphore, #tpu.memory_space<semaphore_mem>>) src(%dma_wait3A_134 : memref<3x256x256xf32, #tpu.memory_space<vmem>>) dst(%dma_wait3A_129 : memref<3x256x256xf32, #tpu.memory_space<hbm>>)
      %dma_wait3A_135 = arith.constant 4 : i32
      %dma_wait3A_136 = arith.constant 60 : i32
      %dma_wait3A_137 = arith.constant 4 : i32
      %dma_wait3A_138 = tpu.memref_slice %arg11[%dma_wait3A_137] : memref<8x!tpu.dma_semaphore, #tpu.memory_space<semaphore_mem>> -> memref<1x!tpu.dma_semaphore, #tpu.memory_space<semaphore_mem>>
      %dma_wait3A_139 = tpu.memref_squeeze %dma_wait3A_138 : memref<1x!tpu.dma_semaphore, #tpu.memory_space<semaphore_mem>> -> memref<!tpu.dma_semaphore, #tpu.memory_space<semaphore_mem>>
      %dma_wait3A_140 = arith.constant 0 : i32
      %dma_wait3A_141 = arith.constant 0 : i32
      %dma_wait3A_142 = arith.constant 0 : i32
      %dma_wait3A_143 = tpu.memref_slice %arg5[%dma_wait3A_136, %dma_wait3A_140, %dma_wait3A_141, %dma_wait3A_142] : memref<64x3x256x256xf32, #tpu.memory_space<hbm>> -> memref<1x3x256x256xf32, #tpu.memory_space<hbm>>
      %dma_wait3A_144 = tpu.memref_squeeze %dma_wait3A_143 : memref<1x3x256x256xf32, #tpu.memory_space<hbm>> -> memref<3x256x256xf32, #tpu.memory_space<hbm>>
      %dma_wait3A_145 = arith.constant 0 : i32
      %dma_wait3A_146 = arith.constant 0 : i32
      %dma_wait3A_147 = arith.constant 0 : i32
      %dma_wait3A_148 = tpu.memref_slice %arg8[%dma_wait3A_135, %dma_wait3A_145, %dma_wait3A_146, %dma_wait3A_147] : memref<8x3x256x256xf32, #tpu.memory_space<vmem>> -> memref<1x3x256x256xf32, #tpu.memory_space<vmem>>
      %dma_wait3A_149 = tpu.memref_squeeze %dma_wait3A_148 : memref<1x3x256x256xf32, #tpu.memory_space<vmem>> -> memref<3x256x256xf32, #tpu.memory_space<vmem>>
      tpu.wait_dma2 semaphore(%dma_wait3A_139 : memref<!tpu.dma_semaphore, #tpu.memory_space<semaphore_mem>>) src(%dma_wait3A_149 : memref<3x256x256xf32, #tpu.memory_space<vmem>>) dst(%dma_wait3A_144 : memref<3x256x256xf32, #tpu.memory_space<hbm>>)
      %dma_wait3A_150 = arith.constant 5 : i32
      %dma_wait3A_151 = arith.constant 61 : i32
      %dma_wait3A_152 = arith.constant 5 : i32
      %dma_wait3A_153 = tpu.memref_slice %arg11[%dma_wait3A_152] : memref<8x!tpu.dma_semaphore, #tpu.memory_space<semaphore_mem>> -> memref<1x!tpu.dma_semaphore, #tpu.memory_space<semaphore_mem>>
      %dma_wait3A_154 = tpu.memref_squeeze %dma_wait3A_153 : memref<1x!tpu.dma_semaphore, #tpu.memory_space<semaphore_mem>> -> memref<!tpu.dma_semaphore, #tpu.memory_space<semaphore_mem>>
      %dma_wait3A_155 = arith.constant 0 : i32
      %dma_wait3A_156 = arith.constant 0 : i32
      %dma_wait3A_157 = arith.constant 0 : i32
      %dma_wait3A_158 = tpu.memref_slice %arg5[%dma_wait3A_151, %dma_wait3A_155, %dma_wait3A_156, %dma_wait3A_157] : memref<64x3x256x256xf32, #tpu.memory_space<hbm>> -> memref<1x3x256x256xf32, #tpu.memory_space<hbm>>
      %dma_wait3A_159 = tpu.memref_squeeze %dma_wait3A_158 : memref<1x3x256x256xf32, #tpu.memory_space<hbm>> -> memref<3x256x256xf32, #tpu.memory_space<hbm>>
      %dma_wait3A_160 = arith.constant 0 : i32
      %dma_wait3A_161 = arith.constant 0 : i32
      %dma_wait3A_162 = arith.constant 0 : i32
      %dma_wait3A_163 = tpu.memref_slice %arg8[%dma_wait3A_150, %dma_wait3A_160, %dma_wait3A_161, %dma_wait3A_162] : memref<8x3x256x256xf32, #tpu.memory_space<vmem>> -> memref<1x3x256x256xf32, #tpu.memory_space<vmem>>
      %dma_wait3A_164 = tpu.memref_squeeze %dma_wait3A_163 : memref<1x3x256x256xf32, #tpu.memory_space<vmem>> -> memref<3x256x256xf32, #tpu.memory_space<vmem>>
      tpu.wait_dma2 semaphore(%dma_wait3A_154 : memref<!tpu.dma_semaphore, #tpu.memory_space<semaphore_mem>>) src(%dma_wait3A_164 : memref<3x256x256xf32, #tpu.memory_space<vmem>>) dst(%dma_wait3A_159 : memref<3x256x256xf32, #tpu.memory_space<hbm>>)
      %dma_wait3A_165 = arith.constant 6 : i32
      %dma_wait3A_166 = arith.constant 62 : i32
      %dma_wait3A_167 = arith.constant 6 : i32
      %dma_wait3A_168 = tpu.memref_slice %arg11[%dma_wait3A_167] : memref<8x!tpu.dma_semaphore, #tpu.memory_space<semaphore_mem>> -> memref<1x!tpu.dma_semaphore, #tpu.memory_space<semaphore_mem>>
      %dma_wait3A_169 = tpu.memref_squeeze %dma_wait3A_168 : memref<1x!tpu.dma_semaphore, #tpu.memory_space<semaphore_mem>> -> memref<!tpu.dma_semaphore, #tpu.memory_space<semaphore_mem>>
      %dma_wait3A_170 = arith.constant 0 : i32
      %dma_wait3A_171 = arith.constant 0 : i32
      %dma_wait3A_172 = arith.constant 0 : i32
      %dma_wait3A_173 = tpu.memref_slice %arg5[%dma_wait3A_166, %dma_wait3A_170, %dma_wait3A_171, %dma_wait3A_172] : memref<64x3x256x256xf32, #tpu.memory_space<hbm>> -> memref<1x3x256x256xf32, #tpu.memory_space<hbm>>
      %dma_wait3A_174 = tpu.memref_squeeze %dma_wait3A_173 : memref<1x3x256x256xf32, #tpu.memory_space<hbm>> -> memref<3x256x256xf32, #tpu.memory_space<hbm>>
      %dma_wait3A_175 = arith.constant 0 : i32
      %dma_wait3A_176 = arith.constant 0 : i32
      %dma_wait3A_177 = arith.constant 0 : i32
      %dma_wait3A_178 = tpu.memref_slice %arg8[%dma_wait3A_165, %dma_wait3A_175, %dma_wait3A_176, %dma_wait3A_177] : memref<8x3x256x256xf32, #tpu.memory_space<vmem>> -> memref<1x3x256x256xf32, #tpu.memory_space<vmem>>
      %dma_wait3A_179 = tpu.memref_squeeze %dma_wait3A_178 : memref<1x3x256x256xf32, #tpu.memory_space<vmem>> -> memref<3x256x256xf32, #tpu.memory_space<vmem>>
      tpu.wait_dma2 semaphore(%dma_wait3A_169 : memref<!tpu.dma_semaphore, #tpu.memory_space<semaphore_mem>>) src(%dma_wait3A_179 : memref<3x256x256xf32, #tpu.memory_space<vmem>>) dst(%dma_wait3A_174 : memref<3x256x256xf32, #tpu.memory_space<hbm>>)
      %dma_wait3A_180 = arith.constant 7 : i32
      %dma_wait3A_181 = arith.constant 63 : i32
      %dma_wait3A_182 = arith.constant 7 : i32
      %dma_wait3A_183 = tpu.memref_slice %arg11[%dma_wait3A_182] : memref<8x!tpu.dma_semaphore, #tpu.memory_space<semaphore_mem>> -> memref<1x!tpu.dma_semaphore, #tpu.memory_space<semaphore_mem>>
      %dma_wait3A_184 = tpu.memref_squeeze %dma_wait3A_183 : memref<1x!tpu.dma_semaphore, #tpu.memory_space<semaphore_mem>> -> memref<!tpu.dma_semaphore, #tpu.memory_space<semaphore_mem>>
      %dma_wait3A_185 = arith.constant 0 : i32
      %dma_wait3A_186 = arith.constant 0 : i32
      %dma_wait3A_187 = arith.constant 0 : i32
      %dma_wait3A_188 = tpu.memref_slice %arg5[%dma_wait3A_181, %dma_wait3A_185, %dma_wait3A_186, %dma_wait3A_187] : memref<64x3x256x256xf32, #tpu.memory_space<hbm>> -> memref<1x3x256x256xf32, #tpu.memory_space<hbm>>
      %dma_wait3A_189 = tpu.memref_squeeze %dma_wait3A_188 : memref<1x3x256x256xf32, #tpu.memory_space<hbm>> -> memref<3x256x256xf32, #tpu.memory_space<hbm>>
      %dma_wait3A_190 = arith.constant 0 : i32
      %dma_wait3A_191 = arith.constant 0 : i32
      %dma_wait3A_192 = arith.constant 0 : i32
      %dma_wait3A_193 = tpu.memref_slice %arg8[%dma_wait3A_180, %dma_wait3A_190, %dma_wait3A_191, %dma_wait3A_192] : memref<8x3x256x256xf32, #tpu.memory_space<vmem>> -> memref<1x3x256x256xf32, #tpu.memory_space<vmem>>
      %dma_wait3A_194 = tpu.memref_squeeze %dma_wait3A_193 : memref<1x3x256x256xf32, #tpu.memory_space<vmem>> -> memref<3x256x256xf32, #tpu.memory_space<vmem>>
      tpu.wait_dma2 semaphore(%dma_wait3A_184 : memref<!tpu.dma_semaphore, #tpu.memory_space<semaphore_mem>>) src(%dma_wait3A_194 : memref<3x256x256xf32, #tpu.memory_space<vmem>>) dst(%dma_wait3A_189 : memref<3x256x256xf32, #tpu.memory_space<hbm>>)
    } else {
    }
    return
  }
  func.func @transform_0(%arg0: i32) -> i32 {
    %c0_i32 = arith.constant 0 : i32
    %c0_i32_0 = arith.constant 0 : i32
    return %c0_i32 : i32
  }
  func.func @transform_1(%arg0: i32) -> i32 {
    %c0_i32 = arith.constant 0 : i32
    %c0_i32_0 = arith.constant 0 : i32
    return %c0_i32 : i32
  }
}

</mosaic_0001>

<sc_bundles>
// kernel: kernel.4.cloned.1.call-start
scs
__scs_entry_jumppad:
0x0: {  	(pc) =	sbr.rel $0x88, $3  }
0x1: {  	(tag) =	ssettag $0x0;
	lr =	simm.s32 $0x1  }
0x2: {  	[smem:$0x3F9D] =	sst lr;
	_ =	strace $0xD0000000  }
0x3: {  	_ = 	snop  }
0x4: {  	_ = 	snop  }
0x5: {  	_ = 	snop  }
0x6: {  	_ = 	snop  }
0x7: {  	_ = 	snop  }
__scs_overlays_trampoline_lowered:
0x8: {  	[smem:$0x3FAC] =	sst s0  }
0x9: {  	[smem:$0x3FAD] =	sst s1  }
0xa: {  	[smem:$0x3FAE] =	sst s2  }
0xb: {  	[smem:$0x3FAF] =	sst s3  }
0xc: {  	[smem:$0x3FB0] =	sst s4  }
0xd: {  	[smem:$0x3FB1] =	sst s5  }
0xe: {  	[smem:$0x3FB2] =	sst s6  }
0xf: {  	[smem:$0x3FB3] =	sst s7  }
0x10: {  	[smem:$0x3FB4] =	sst s8  }
0x11: {  	[smem:$0x3FB5] =	sst s9;
	s0 =	simm.s32 @!p0 $0x0  }
0x12: {  	s1 =	sld [smem:$0x3F9B];
	s0 =	simm.s32 @p0 $0x1  }
0x13: {  	[smem:$0x3FB6] =	sst s0;
	s0 =	simm.s32 @!p1 $0x0  }
0x14: {  	s2 =	sld [smem:$0x3F9A];
	s0 =	simm.s32 @p1 $0x1  }
0x15: {  	[smem:$0x3FB7] =	sst s0;
	s0 =	simm.s32 @!p2 $0x0  }
0x16: {  	s3 =	sld [smem:$0x3FDB];
	s0 =	simm.s32 @p2 $0x1  }
0x17: {  	s4 =	simm.s32 $0x1BF5;
	[smem:$0x3FB9] =	sst s0  }
0x18: {  	s0 =	sld [smem:$0x3F9C];
	_ =	swait.ge [sflag:s4], $0x0  }
0x19: {  	s7 =	sld [smem:$0x3F9D]  }
0x1a: {  	s8 =	sadd.s32 $0xFFFFE003, lr  }
0x1b: {  	s9 =	sadd.s32 $0xFFFFFEF7, lr;
	s5 =	simm.s32 $0xFFFFFFFF;
	p2 =	slt.u32 s8, $0xFFFFF086  }
0x1c: {  	p1 =	slt.u32 s9, $0xF7A;
	s5 =	simm.s32 @!p2 $0x0  }
0x1d: {  	s5 =	simm.s32 @p1 $0x1;
	p0 =	seq.s32 s7, s2  }
0x1e: {  	s7 =	smul.u32 @!p0 $0xF7A, s2;
	p2 =	seq.s32 @!p0 s5, $0x0  }
0x1f: {  	s9 =	smul.u32 $0xF7A, s1;
	s8 =	simm.s32 @!p0 $0x1BF5;
	p2 =	por !p2, p0  }
0x20: {  	[sflag:s8] =	ssyncset.s32 @!p0 $0xFFFFF086;
	s6 =	sadd.s32 @!p0 s3, s7;
	s7 =	simm.s32 @!p0 $0x108  }
0x21: {  	s3 =	sadd.s32 s3, s9;
	s6 =	sadd.s32 @!p0 $0x88, s6;
	s7 =	simm.s32 @p2 $0x1082  }
0x22: {  	[simem:s7], [sflag:s8] =	dma.local @!p0 [hbm:s6], $0xF7A  }
0x23: {  	s9 =	sor.u32 $0xD0000000, s2;
	s6 =	simm.s32 $0x108;
	_ =	swait.ge @!p0 [sflag:s8], $0x0  }
0x24: {  	s3 =	sadd.s32 $0x88, s3;
	s6 =	simm.s32 @!p1 $0x1082;
	[sflag:s4] =	ssyncset.s32 $0xFFFFF086  }
0x25: {  	[simem:s6], [sflag:s4] =	dma.local [hbm:s3], $0xF7A  }
0x26: {  	[smem:$0x3F9D] =	sst s1;
	(tag) =	ssettag s2;
	_ =	strace s9  }
0x27: {  	s1 =	sld [smem:$0x3FAD]  }
0x28: {  	s2 =	sld [smem:$0x3FAE]  }
0x29: {  	s4 =	sld [smem:$0x3FB0]  }
0x2a: {  	p0 =	seq.s32 s5, $0x0;
	s5 =	sld [smem:$0x3FB1]  }
0x2b: {  	s6 =	sld [smem:$0x3FB2]  }
0x2c: {  	s7 =	sld [smem:$0x3FB3]  }
0x2d: {  	s3 =	simm.s32 $0x108;
	s8 =	sld [smem:$0x3FB4]  }
0x2e: {  	s3 =	simm.s32 @!p0 $0x1082;
	s9 =	sld [smem:$0x3FB5]  }
0x2f: {  	lr =	sadd.s32 s0, s3;
	s0 =	sld [smem:$0x3FAC]  }
0x30: {  	s3 =	sld [smem:$0x3FAF]  }
0x31: {  	[smem:$0x3FB8] =	sst s10  }
0x32: {  	s10 =	sld [smem:$0x3FB6];
	_ =	sdelay $0x3  }
0x33: {  	p0 =	seq.s32 s10, $0x1;
	s10 =	sld [smem:$0x3FB8];
	_ =	sdelay $0x3  }
0x34: {  	[smem:$0x3FB8] =	sst s10  }
0x35: {  	s10 =	sld [smem:$0x3FB7];
	_ =	sdelay $0x3  }
0x36: {  	p1 =	seq.s32 s10, $0x1;
	s10 =	sld [smem:$0x3FB8];
	_ =	sdelay $0x3  }
0x37: {  	[smem:$0x3FB8] =	sst s10  }
0x38: {  	s10 =	sld [smem:$0x3FB9]  }
0x39: {  	_ = 	snop;
	(pc) =	sbr.ind lr, $3  }
0x3a: {  	_ = 	snop  }
0x3b: {  	_ = 	snop  }
0x3c: {  	p2 =	seq.s32 s10, $0x1;
	s10 =	sld [smem:$0x3FB8]  }
0x3d: {  	_ =	shalt  }
0x3e: {  	_ =	shalt  }
0x3f: {  	_ =	shalt  }
0x40: {  	_ =	shalt  }
0x41: {  	_ =	shalt  }
0x42: {  	_ =	shalt  }
0x43: {  	_ =	shalt  }
0x44: {  	_ =	shalt  }
0x45: {  	_ =	shalt  }
0x46: {  	_ =	shalt  }
0x47: {  	_ =	shalt  }
0x48: {  	_ =	shalt  }
0x49: {  	_ =	shalt  }
0x4a: {  	_ =	shalt  }
0x4b: {  	_ =	shalt  }
0x4c: {  	_ =	shalt  }
0x4d: {  	_ =	shalt  }
0x4e: {  	_ =	shalt  }
0x4f: {  	_ =	shalt  }
0x50: {  	_ =	shalt  }
0x51: {  	_ =	shalt  }
0x52: {  	_ =	shalt  }
0x53: {  	_ =	shalt  }
0x54: {  	_ =	shalt  }
0x55: {  	_ =	shalt  }
0x56: {  	_ =	shalt  }
0x57: {  	_ =	shalt  }
0x58: {  	_ =	shalt  }
0x59: {  	_ =	shalt  }
0x5a: {  	_ =	shalt  }
0x5b: {  	_ =	shalt  }
0x5c: {  	_ =	shalt  }
0x5d: {  	_ =	shalt  }
0x5e: {  	_ =	shalt  }
0x5f: {  	_ =	shalt  }
0x60: {  	_ =	shalt  }
0x61: {  	_ =	shalt  }
0x62: {  	_ =	shalt  }
0x63: {  	_ =	shalt  }
0x64: {  	_ =	shalt  }
0x65: {  	_ =	shalt  }
0x66: {  	_ =	shalt  }
0x67: {  	_ =	shalt  }
0x68: {  	_ =	shalt  }
0x69: {  	_ =	shalt  }
0x6a: {  	_ =	shalt  }
0x6b: {  	_ =	shalt  }
0x6c: {  	_ =	shalt  }
0x6d: {  	_ =	shalt  }
0x6e: {  	_ =	shalt  }
0x6f: {  	_ =	shalt  }
0x70: {  	_ =	shalt  }
0x71: {  	_ =	shalt  }
0x72: {  	_ =	shalt  }
0x73: {  	_ =	shalt  }
0x74: {  	_ =	shalt  }
0x75: {  	_ =	shalt  }
0x76: {  	_ =	shalt  }
0x77: {  	_ =	shalt  }
0x78: {  	_ =	shalt  }
0x79: {  	_ =	shalt  }
0x7a: {  	_ =	shalt  }
0x7b: {  	_ =	shalt  }
0x7c: {  	_ =	shalt  }
0x7d: {  	_ =	shalt  }
0x7e: {  	_ =	shalt  }
0x7f: {  	_ =	shalt  }
0x80: {  	_ =	shalt  }
0x81: {  	_ =	shalt  }
0x82: {  	_ =	shalt  }
0x83: {  	_ =	shalt  }
0x84: {  	_ =	shalt  }
0x85: {  	_ =	shalt  }
0x86: {  	_ =	shalt  }
0x87: {  	_ =	shalt  }
.Lfunc_end0:
.L_simem_size_0:
called_computation_lowered:
.L_overlay_start_0:
0x88: {  	s2 =	sld [smem:$0x3FD9]  }
0x89: {  	s3 =	sld [smem:$0x3FFE];
	_ =	sdelay $0x1  }
0x8a: {  	s1 =	srdreg.scid  }
0x8b: {  	s0 =	sand.u32 $0x1, s1  }
0x8c: {  	s17 =	sshll.u32 s0, $0xA;
	s2 =	sadd.s32 s3, s2  }
0x8d: {  	s2 =	sadd.s32 s2, s17  }
0x8e: {  	[smem:$0x3FC4] =	sst s2  }
0x8f: {  	_ = 	snop  }
0x90: {  	s2 =	sld [smem:$0x3FC8]  }
0x91: {  	s18 =	sld [smem:$0x3FD0];
	(tm) =	ssettm $0x1  }
0x92: {  	s4 =	sld [smem:$0x3FFB];
	_ =	sdelay $0x3  }
0x93: {  	_ =	strace s4  }
0x94: {  	s4 =	sld [smem:$0x3FFC];
	_ =	sdelay $0x3  }
0x95: {  	_ =	strace s4  }
0x96: {  	s4 =	sld [smem:$0x3FFD];
	_ =	sdelay $0x3  }
0x97: {  	_ =	strace s4  }
0x98: {  	_ =	strace $0x8FFFFFFF  }
0x99: {  	s19 =	sld [smem:$0x3FDB];
	_ =	sdelay $0x1  }
0x9a: {  	s5 =	simm.s32 $_scs_section_size  }
0x9b: {  	s6 =	simm.s32 $_size__tile_overlayer_lowered;
	s7 =	simm.s32 $_tile_overlayer_lowered  }
0x9c: {  	s22 =	simm.s32 $0x1BFF;
	s21 =	sshll.u32 s7, $0x1;
	s4 =	sadd.s32 s5, s19  }
0x9d: {  	s8 =	simm.s32 $0x0;
	s20 =	sshll.u32 s6, $0x1;
	s6 =	sadd.s32 s21, s4  }
0x9e: {  	[timem:s8], [sflag:s22] =	dma.local [hbm:s6], s20  }
0x9f: {  	_ =	swait.ge [sflag:s22], s20  }
0xa0: {  	s5 =	ssub.s32 $0x0, s20;
	[sflag:s22] =	ssyncset.done $0x0  }
0xa1: {  	[sflag:s22] =	ssyncadd.s32 s5;
	_ =	sdelay $0x1  }
0xa2: {  	s23 =	simm.s32 $0x1B8B  }
0xa3: {  	_ =	swait.ge [sflag:s23], $0x1  }
0xa4: {  	[sflag:s23] =	ssyncset.done $0x0  }
0xa5: {  	s25 =	simm.s32 $0x1B8E;
	s24 =	sld [smem:$0x3FFE];
	[sflag:s23] =	ssyncadd.s32 $0xFFFFFFFF  }
0xa6: {  	s26 =	simm.s32 $execute0_lowered;
	[smem:$0x3FD2] =	sst s25  }
0xa7: {  	s6 =	sshll.u32 s26, $0x1;
	_ =	strace $0x80000046;
	[dreg:$0x1] =	wrdreg $0xFFFFFFFF  }
0xa8: {  	s28 =	simm.s32 $_size_execute0_lowered;
	s4 =	sadd.s32 s4, s6;
	[dreg:$0x0] =	wrdreg $0x0  }
0xa9: {  	s6 =	sshll.u32 s28, $0x1;
	[dreg:$0x2] =	wrdreg s4  }
0xaa: {  	[dreg:$0x3] =	wrdreg s6  }
0xab: {  	[dreg:$0x4] =	wrdreg $0xC0  }
0xac: {  	_ =	task [dreg:s8], $0x5FFFF  }
0xad: {  	[dreg:$0x1] =	wrdreg $0xFFFFFFFF  }
0xae: {  	[dreg:$0x0] =	wrdreg $0x60  }
0xaf: {  	[dreg:$0x2] =	wrdreg s2  }
0xb0: {  	[dreg:$0x3] =	wrdreg s18  }
0xb1: {  	[dreg:$0x4] =	wrdreg s24  }
0xb2: {  	[dreg:$0x5] =	wrdreg $0x9  }
0xb3: {  	_ =	task.clear_ibuf [dreg:s8], $0x6FFFF;
	_ =	strace $0x90000046  }
0xb4: {  	s29 =	simm.s32 $0x9;
	_ =	strace $0x80000048  }
0xb5: {  	_ =	swait.ge [sflag:s29], $0x1  }
0xb6: {  	[sflag:s29] =	ssyncadd.s32 $0xFFFFFFFF  }
0xb7: {  	_ =	strace $0x90000048  }
0xb8: {  	_ =	sfence  }
0xb9: {  	s30 =	sld [smem:$0x0];
	_ =	sdelay $0x2  }
0xba: {  	s31 =	sshll.u32 s1, $0xD;
	s1 =	sshrl.u32 s1, $0x2  }
0xbb: {  	s3 =	sand.u32 $0x4000, s31;
	s1 =	sadd.s32 s1, s30  }
0xbc: {  	s0 =	sor.u32 s3, s0;
	s1 =	sshll.u32 s1, $0x11  }
0xbd: {  	s0 =	sor.u32 s1, s0  }
0xbe: {  	s0 =	sadd.s32 $0x8F2B, s0  }
0xbf: {  	[sflag:s0] =	ssyncadd.remote.s32 $0x1  }
0xc0: {  	_ =	sfence.sel $0xFFFF  }
0xc1: {  	[dreg:$0x0] =	wrdreg $0xFFFFFFFF;
	(pc) =	sbr.abs _section_cstart, $3  }
0xc2: {  	[dreg:$0x1] =	wrdreg $0xFFFFFFFF  }
0xc3: {  	_ =	task.clear_ibuf [dreg:s8], $0x2FFFF;
	_ =	strace $0x9FFFFFFF  }
0xc4: {  	(tm) =	ssettm $0x7FFFFFFF  }
0xc5: {  	_ =	shalt  }
tec
execute0_lowered:
.L_overlay_start_1:
0x0: {  	(tag) =	ssettag $0x1  }
0x1: {  	s1 =	stileid.u32  }
0x2: {  	p0 =	sgt.u32 s1, $0x1  }
.Ltmp0:
0x3: {  	s5 =	rddreg [dreg:$0x0];
	(pc) =	sbr.rel @p0 .LBB2_4-.Ltmp0, $4  }
0x4: {  	s2 =	rddreg [dreg:$0x1]  }
0x5: {  	s7 =	rddreg [dreg:$0x2];
	s3 =	simm.s32 $0x0  }
0x6: {  	[smem:$0x7FF] =	sst s3  }
0x7: {  	s0 =	rddreg [dreg:$0x3];
	_ =	strace $0x80000047  }
0x8: {  	s4 =	srdreg.scid  }
0x9: {  	[tilespmem:s3], [sflag:$0x1] =	stream.linear.gather [hbm4b:s2+s3], $0x400, $0x38;
	[tilespmem:$0x580] =	vst v63  }
0xa: {  	s8 =	sand.u32 $0x1, s4;
	s4 =	simm.s32 $0x1  }
0xb: {  	s6 =	sshll.u32 s1, $0x2;
	s9 =	sshll.u32 s8, $0x1;
	_ =	swait.ge [sflag:s4], $0x400  }
0xc: {  	s9 =	sor.u32 s9, s6;
	[sflag:s4] =	ssyncset.done $0x0  }
0xd: {  	s6 =	simm.s32 $0x400;
	s5 =	sadd.s32 s5, s9;
	[sflag:s4] =	ssyncadd.s32 $0xFFFFFC00  }
0xe: {  	[tilespmem:s6], [sflag:$0x1] =	stream.linear.gather [hbm4b:s5+s3], $0x10, $0x38;
	[tilespmem:$0x580] =	vst v63  }
0xf: {  	_ =	swait.ge [sflag:s4], $0x10  }
0x10: {  	[sflag:s4] =	ssyncset.done $0x0  }
0x11: {  	[sflag:s4] =	ssyncadd.s32 $0xFFFFFFF0  }
0x12: {  	v0 =	vld [tilespmem:$0x400];
	_ =	sdelay $0x7  }
0x13: {  	v0 =	vld.idx.msk [tilespmem:v0+s3+$0x0], $0xffff;
	_ =	sdelay $0x4  }
0x14: {  	v1 =	vsub.f32 $1.000000000e+00, v0;
	_ =	sdelay $0x1  }
0x15: {  	(erf) = vrcp.f32 v1;
	_ =	sdelay $0x8  }
0x16: {  	v1 =	vpop (erf)  }
0x17: {  	v1 =	vmul.f32 v1, v0  }
0x18: {  	v2 =	vshra.s32 v0, $0x1;
	v0 =	vmul.f32 $5.000000000e-01, v0  }
0x19: {  	v2 =	vsub.s32 $0x5F3759DF, v2;
	v3 =	vshra.s32 v1, $0x1;
	v1 =	vmul.f32 $5.000000000e-01, v1  }
0x1a: {  	v4 =	vmul.f32 v2, v0;
	v3 =	vsub.s32 $0x5F3759DF, v3  }
0x1b: {  	v5 =	vmul.f32 v3, v1  }
0x1c: {  	v4 =	vmul.f32 v2, v4  }
0x1d: {  	v5 =	vmul.f32 v3, v5  }
0x1e: {  	v4 =	vsub.f32 $1.500000000e+00, v4  }
0x1f: {  	v5 =	vsub.f32 $1.500000000e+00, v5  }
0x20: {  	v2 =	vmul.f32 v2, v4  }
0x21: {  	v3 =	vmul.f32 v3, v5  }
0x22: {  	v4 =	vmul.f32 v2, v0  }
0x23: {  	v5 =	vmul.f32 v3, v1  }
0x24: {  	v4 =	vmul.f32 v4, v2  }
0x25: {  	v5 =	vmul.f32 v5, v3  }
0x26: {  	v4 =	vsub.f32 $1.500000000e+00, v4  }
0x27: {  	v5 =	vsub.f32 $1.500000000e+00, v5  }
0x28: {  	v2 =	vmul.f32 v4, v2  }
0x29: {  	v3 =	vmul.f32 v5, v3  }
0x2a: {  	v0 =	vmul.f32 v2, v0  }
0x2b: {  	v1 =	vmul.f32 v3, v1  }
0x2c: {  	v0 =	vmul.f32 v0, v2  }
0x2d: {  	v1 =	vmul.f32 v1, v3  }
0x2e: {  	v0 =	vsub.f32 $1.500000000e+00, v0  }
0x2f: {  	v1 =	vsub.f32 $1.500000000e+00, v1  }
0x30: {  	s10 =	ssub.s32 $0x2, s8;
	v0 =	vmul.f32 v0, v2  }
0x31: {  	s11 =	sshrl.u32 s10, $0x1;
	v1 =	vmul.f32 v1, v3  }
0x32: {  	s9 =	sadd.s32 s9, s7;
	s10 =	ssub.s32 s10, s11;
	[tilespmem:$0x480] =	vst v0  }
0x33: {  	s8 =	simm.s32 $0x480;
	s7 =	sadd.s32 $0xC00, s9;
	s11 =	smax.u32 s10, $0x1;
	[tilespmem:$0x500] =	vst v1  }
0x34: {  	[hbm4b:s7+s3] =	stream.linear.scatter [tilespmem:s8], [sflag:$0x1], $0x10, $0x38;
	[tilespmem:$0x580] =	vst v63  }
0x35: {  	p0 =	sne.s32 s11, $0x1;
	_ =	swait.ge [sflag:s4], $0x10  }
.Ltmp1:
0x36: {  	[sflag:s4] =	ssyncset.done $0x0;
	(pc) =	sbr.rel @!p0 .LBB2_3-.Ltmp1, $4  }
0x37: {  	s9 =	sadd.s32 $0xE00, s9;
	s10 =	simm.s32 $0x500;
	[sflag:s4] =	ssyncadd.s32 $0xFFFFFFF0  }
0x38: {  	[hbm4b:s9+s3] =	stream.linear.scatter [tilespmem:s10], [sflag:$0x1], $0x10, $0x38;
	[tilespmem:$0x580] =	vst v63  }
0x39: {  	_ =	swait.ge [sflag:s4], $0x10  }
0x3a: {  	s11 =	sadd.s32 $0xFFFFFFFF, s11;
	[sflag:s4] =	ssyncset.done $0x0  }
.LBB2_2:
0x3b: {  	p0 =	sne.s32 s11, $0x1;
	s11 =	sadd.s32 $0xFFFFFFFF, s11;
	[sflag:s4] =	ssyncadd.s32 $0xFFFFFFF0  }
0x3c: {  	[tilespmem:s3], [sflag:$0x1] =	stream.linear.gather [hbm4b:s2+s3], $0x400, $0x38;
	[tilespmem:$0x580] =	vst v63  }
0x3d: {  	_ =	swait.ge [sflag:s4], $0x400  }
0x3e: {  	[sflag:s4] =	ssyncset.done $0x0  }
0x3f: {  	[sflag:s4] =	ssyncadd.s32 $0xFFFFFC00  }
0x40: {  	[tilespmem:s6], [sflag:$0x1] =	stream.linear.gather [hbm4b:s5+s3], $0x10, $0x38;
	[tilespmem:$0x580] =	vst v63  }
0x41: {  	_ =	swait.ge [sflag:s4], $0x10  }
0x42: {  	[sflag:s4] =	ssyncset.done $0x0  }
0x43: {  	[sflag:s4] =	ssyncadd.s32 $0xFFFFFFF0  }
0x44: {  	v0 =	vld [tilespmem:$0x400];
	_ =	sdelay $0x7  }
0x45: {  	v0 =	vld.idx.msk [tilespmem:v0+s3+$0x0], $0xffff;
	_ =	sdelay $0x5  }
0x46: {  	v1 =	vshra.s32 v0, $0x1;
	v2 =	vmul.f32 $5.000000000e-01, v0;
	v3 =	vsub.f32 $1.000000000e+00, v0  }
0x47: {  	v1 =	vsub.s32 $0x5F3759DF, v1  }
0x48: {  	v4 =	vmul.f32 v1, v2;
	(erf) = vrcp.f32 v3;
	_ =	sdelay $0x1  }
0x49: {  	v3 =	vmul.f32 v1, v4;
	_ =	sdelay $0x1  }
0x4a: {  	v3 =	vsub.f32 $1.500000000e+00, v3;
	_ =	sdelay $0x1  }
0x4b: {  	v1 =	vmul.f32 v1, v3;
	_ =	sdelay $0x1  }
0x4c: {  	v3 =	vmul.f32 v1, v2  }
0x4d: {  	v4 =	vpop (erf)  }
0x4e: {  	v3 =	vmul.f32 v3, v1;
	v0 =	vmul.f32 v4, v0;
	_ =	sdelay $0x1  }
0x4f: {  	v3 =	vsub.f32 $1.500000000e+00, v3;
	v4 =	vshra.s32 v0, $0x1;
	v0 =	vmul.f32 $5.000000000e-01, v0  }
0x50: {  	v4 =	vsub.s32 $0x5F3759DF, v4  }
0x51: {  	v1 =	vmul.f32 v3, v1;
	v3 =	vmul.f32 v4, v0;
	_ =	sdelay $0x1  }
0x52: {  	v2 =	vmul.f32 v1, v2;
	v3 =	vmul.f32 v4, v3;
	_ =	sdelay $0x1  }
0x53: {  	v2 =	vmul.f32 v2, v1;
	v3 =	vsub.f32 $1.500000000e+00, v3;
	_ =	sdelay $0x1  }
0x54: {  	v2 =	vsub.f32 $1.500000000e+00, v2;
	v3 =	vmul.f32 v4, v3;
	_ =	sdelay $0x1  }
0x55: {  	v1 =	vmul.f32 v2, v1;
	v2 =	vmul.f32 v3, v0;
	_ =	sdelay $0x1  }
0x56: {  	[tilespmem:$0x480] =	vst v1;
	v1 =	vmul.f32 v2, v3;
	_ =	sdelay $0x1  }
0x57: {  	v1 =	vsub.f32 $1.500000000e+00, v1;
	_ =	sdelay $0x1  }
0x58: {  	v1 =	vmul.f32 v1, v3;
	_ =	sdelay $0x1  }
0x59: {  	v0 =	vmul.f32 v1, v0;
	_ =	sdelay $0x1  }
0x5a: {  	v0 =	vmul.f32 v0, v1;
	_ =	sdelay $0x1  }
0x5b: {  	v0 =	vsub.f32 $1.500000000e+00, v0;
	_ =	sdelay $0x1  }
0x5c: {  	v0 =	vmul.f32 v0, v1;
	_ =	sdelay $0x1  }
0x5d: {  	[tilespmem:$0x500] =	vst v0  }
0x5e: {  	[hbm4b:s7+s3] =	stream.linear.scatter [tilespmem:s8], [sflag:$0x1], $0x10, $0x38;
	[tilespmem:$0x580] =	vst v63  }
0x5f: {  	_ =	swait.ge [sflag:s4], $0x10  }
.Ltmp2:
0x60: {  	[sflag:s4] =	ssyncset.done $0x0;
	(pc) =	sbr.rel @p0 .LBB2_2-.Ltmp2, $4  }
0x61: {  	[sflag:s4] =	ssyncadd.s32 $0xFFFFFFF0  }
0x62: {  	[hbm4b:s9+s3] =	stream.linear.scatter [tilespmem:s10], [sflag:$0x1], $0x10, $0x38;
	[tilespmem:$0x580] =	vst v63  }
0x63: {  	_ =	swait.ge [sflag:s4], $0x10  }
0x64: {  	[sflag:s4] =	ssyncset.done $0x0  }
.LBB2_3:
0x65: {  	[sflag:s4] =	ssyncadd.s32 $0xFFFFFFF0  }
.LBB2_4:
0x66: {  	_ =	sfence.sel $0x180000  }
0x67: {  	[bflag:$0x0] =	sbarrier.arrive $0xFFFF  }
0x68: {  	p0 =	sne.s32 s1, $0x0;
	_ =	strace $0x90000047  }
0x69: {  	s0 =	sadd.s32 @!p0 $0x100000, s0;
	[bflag:$0x2] =	sbarrier.arrive $0xFFFF  }
0x6a: {  	[sflag:s0] =	ssyncadd.tile.s32 @!p0 $0x1;
	_ =	shalt  }
.Lfunc_end2:
_tile_overlayer_lowered:
.L_overlay_start_2:
0x6b: {  	(tag) =	ssettag $0x2  }
0x6c: {  	s0 =	rddreg [dreg:$0x0];
	s2 =	stileid.u32  }
0x6d: {  	s1 =	rddreg [dreg:$0x1];
	p0 =	sne.s32 s2, $0x0  }
0x6e: {  	s3 =	rddreg [dreg:$0x2];
	[bflag:$0x3] =	sbarrier.arrive $0xFFFF;
	s2 =	simm.s32 @!p0 $0x1C01  }
0x6f: {  	[timem:s3], [sflag:s2] =	dma.local @!p0 [hbm:s0], s1  }
0x70: {  	s0 =	simm.s32 @!p0 $0x1  }
0x71: {  	_ =	swait.ge @!p0 [sflag:s0], s1  }
0x72: {  	s1 =	ssub.s32 @!p0 $0x0, s1;
	[sflag:s0] =	ssyncset.done @!p0 $0x0  }
0x73: {  	[sflag:s0] =	ssyncadd.s32 @!p0 s1  }
0x74: {  	[bflag:$0x3] =	sbarrier.arrive $0xFFFF  }
0x75: {  	_ =	shalt  }

</sc_bundles>
